<compile_context>
chip_gen: v7x
topology: tpu7x:2x2x1
jax: 0.10.2.dev20260603
libtpu: 0.0.44.dev20260713+nightly
codegen_flags: <defaults>
</compile_context>

<pallas_src>
import functools
import math

import jax
import jax.numpy as jnp
from jax.experimental import pallas as pl
from jax.experimental.pallas import tpu as pltpu
from jax.experimental.pallas import tpu_sc as plsc

_SC_CORES = 2
_SC_SUBCORES = 16


def _dot(a, b, dims):
    return jax.lax.dot_general(
        a.astype(jnp.bfloat16), b.astype(jnp.bfloat16),
        (dims, ((), ())), preferred_element_type=jnp.float32)


def _ln(x, g, b, eps=1e-5):
    mu = jnp.mean(x, axis=-1, keepdims=True)
    var = jnp.mean((x - mu) * (x - mu), axis=-1, keepdims=True)
    return (x - mu) * jax.lax.rsqrt(var + eps) * g + b


def _ln_qkv_body(x_ref, g_ref, b_ref, w_ref, o_ref, *, dk):
    xn = _ln(x_ref[...], g_ref[...], b_ref[...])
    res = _dot(xn, w_ref[...], (((1,), (1,))))
    for c in range(o_ref.shape[0]):
        o_ref[c] = res[:, c * dk:(c + 1) * dk]


def _attn_body(q_ref, k_ref, v_ref, o_ref, *, bq, tk, dk, row0):
    iq = pl.program_id(1)
    q = (q_ref[0] * (1.0 / math.sqrt(dk))).astype(jnp.bfloat16)
    s = jax.lax.dot_general(q, k_ref[0].astype(jnp.bfloat16),
                            (((1,), (1,)), ((), ())),
                            preferred_element_type=jnp.float32)
    p = jnp.exp(s)
    rows = row0 + iq * bq + jax.lax.broadcasted_iota(jnp.int32, (bq, tk), 0)
    cols = jax.lax.broadcasted_iota(jnp.int32, (bq, tk), 1)
    p = jnp.where(rows >= cols, p, 0.0)
    l = jnp.sum(p, axis=1, keepdims=True)
    o = _dot(p, v_ref[0], ((1,), (0,)))
    o_ref[0] = o / l


def _router_body(alo_ref, ahi_ref, wp_ref, x_ref, g_ref, b_ref, wr_ref,
                 x1_ref, h_ref, dsts_ref, srcs_ref,
                 v0_ref, v1_ref, bal_ref, *, t, n_exp, cap, drop_row):
    n_heads = alo_ref.shape[0]
    ao = jnp.concatenate(
        [jnp.concatenate([alo_ref[c], ahi_ref[c]], axis=0)
         for c in range(n_heads)], axis=1)
    x1 = x_ref[...] + _dot(ao, wp_ref[...], ((1,), (1,)))
    x1_ref[...] = x1
    h = _ln(x1, g_ref[...], b_ref[...])
    h_ref[...] = h
    logits = _dot(h, wr_ref[...], ((1,), (1,)))
    mx = jnp.max(logits, axis=1, keepdims=True)
    ex = jnp.exp(logits - mx)
    gate = ex / jnp.sum(ex, axis=1, keepdims=True)

    eiota = jax.lax.broadcasted_iota(jnp.int32, (t, n_exp), 1)
    m0 = jnp.max(gate, axis=1, keepdims=True)
    idx0 = jnp.min(jnp.where(gate == m0, eiota, n_exp), axis=1, keepdims=True)
    g2 = jnp.where(eiota == idx0, -1.0, gate)
    m1 = jnp.max(g2, axis=1, keepdims=True)
    idx1 = jnp.min(jnp.where(g2 == m1, eiota, n_exp), axis=1, keepdims=True)

    oh0 = (eiota == idx0).astype(jnp.float32)
    oh1 = (eiota == idx1).astype(jnp.float32)

    blk = 256
    riota = jax.lax.broadcasted_iota(jnp.int32, (blk, blk), 0)
    ciota = jax.lax.broadcasted_iota(jnp.int32, (blk, blk), 1)
    ltri = (riota >= ciota).astype(jnp.bfloat16)

    def cumsum_tokens(oh):
        ohb = oh.astype(jnp.bfloat16)
        carry = jnp.zeros((1, n_exp), jnp.float32)
        parts = []
        for i in range(t // blk):
            part = jax.lax.dot_general(
                ltri, ohb[i * blk:(i + 1) * blk, :],
                ((((1,), (0,))), ((), ())),
                preferred_element_type=jnp.float32) + carry
            parts.append(part)
            carry = part[blk - 1:blk, :]
        return jnp.concatenate(parts, axis=0)

    cum0 = cumsum_tokens(oh0)
    cum1 = cumsum_tokens(oh1)
    pos0 = jnp.sum((cum0 - 1.0) * oh0, axis=1, keepdims=True).astype(jnp.int32)
    pos1 = jnp.sum((cum1 - 1.0) * oh1, axis=1, keepdims=True).astype(jnp.int32)

    keep0 = pos0 < cap
    used0 = jnp.sum(oh0 * keep0.astype(jnp.float32), axis=0, keepdims=True)
    used0_t = jnp.sum(oh1 * used0, axis=1, keepdims=True).astype(jnp.int32)
    keep1 = pos1 < (cap - used0_t)
    used = used0 + jnp.sum(oh1 * keep1.astype(jnp.float32), axis=0, keepdims=True)

    slot1 = used0_t + pos1
    dsts_ref[0:t] = jnp.where(keep0, idx0 * cap + pos0, drop_row)
    dsts_ref[t:2 * t] = jnp.where(keep1, idx1 * cap + slot1, drop_row)
    srcs_ref[0:t] = idx0 * cap + jnp.where(keep0, pos0, cap - 1)
    srcs_ref[t:2 * t] = idx1 * cap + jnp.where(keep1, slot1, cap - 1)
    v0_ref[...] = jnp.where(keep0, m0, 0.0)
    v1_ref[...] = jnp.where(keep1, m1, 0.0)

    prob = jnp.sum(gate, axis=0, keepdims=True) * (1.0 / t)
    me = 1e-9
    frac = jnp.maximum(used, me) * (1.0 / (t * 2 + me))
    bal_ref[...] = jnp.sum(prob * frac, axis=1, keepdims=True) * n_exp


def _sc_scatter(h, dsts, n_rows, t, d):
    nw = _SC_CORES * _SC_SUBCORES
    bpw = (2 * t) // nw
    mesh = plsc.VectorSubcoreMesh(core_axis_name="c", subcore_axis_name="s")

    @functools.partial(
        pl.kernel, mesh=mesh,
        out_type=jax.ShapeDtypeStruct((n_rows, d), jnp.float32),
        scratch_types=[pltpu.VMEM((bpw,), jnp.int32),
                       pltpu.VMEM((bpw, d), jnp.float32),
                       pltpu.SemaphoreType.DMA],
    )
    def k(h_hbm, dsts_hbm, buf_hbm, idx_v, rows_v, sem):
        wid = jax.lax.axis_index("s") * _SC_CORES + jax.lax.axis_index("c")
        base = wid * bpw
        src = jax.lax.rem(base, t)
        pltpu.sync_copy(dsts_hbm.at[pl.ds(base, bpw)], idx_v)
        pltpu.sync_copy(h_hbm.at[pl.ds(src, bpw)], rows_v)
        pltpu.async_copy(rows_v, buf_hbm.at[idx_v], sem).wait()

    return k(h, dsts)


def _sc_gather(ybuf, srcs, t, d):
    nw = _SC_CORES * _SC_SUBCORES
    bpw = (2 * t) // nw
    mesh = plsc.VectorSubcoreMesh(core_axis_name="c", subcore_axis_name="s")

    @functools.partial(
        pl.kernel, mesh=mesh,
        out_type=jax.ShapeDtypeStruct((2 * t, d), jnp.float32),
        scratch_types=[pltpu.VMEM((bpw,), jnp.int32),
                       pltpu.VMEM((bpw, d), jnp.float32),
                       pltpu.SemaphoreType.DMA],
    )
    def k(ybuf_hbm, srcs_hbm, out_hbm, idx_v, rows_v, sem):
        wid = jax.lax.axis_index("s") * _SC_CORES + jax.lax.axis_index("c")
        base = wid * bpw
        pltpu.sync_copy(srcs_hbm.at[pl.ds(base, bpw)], idx_v)
        pltpu.async_copy(ybuf_hbm.at[idx_v], rows_v, sem).wait()
        pltpu.sync_copy(rows_v, out_hbm.at[pl.ds(base, bpw)])

    return k(ybuf, srcs)


def _ffn_body(xe_ref, w1_ref, w2_ref, ye_ref, *, d_ff):
    ab = _dot(xe_ref[...], w1_ref[0], ((1,), (1,)))
    a = ab[:, :d_ff]
    bb = ab[:, d_ff:]
    g = a * jax.lax.logistic(a) * bb
    ye_ref[...] = _dot(g, w2_ref[0], ((1,), (1,)))


def _combine_body(x1_ref, r0_ref, r1_ref, v0_ref, v1_ref, y_ref):
    c0 = jnp.where(v0_ref[...] > 0.0, r0_ref[...], 0.0) * v0_ref[...]
    c1 = jnp.where(v1_ref[...] > 0.0, r1_ref[...], 0.0) * v1_ref[...]
    y_ref[...] = x1_ref[...] + c0 + c1


def kernel(x, g1, b1, Wqkv, Wproj, g2, b2, Wr, W1, W2):
    b, t, d = x.shape
    n_heads = 12
    dk = d // n_heads
    n_exp, two_dff, _ = W1.shape
    d_ff = two_dff // 2
    tokens = b * t
    cap = max(1, int(1.25 * (tokens * 2 / n_exp)))
    n_rows = (n_exp + 1) * cap
    drop_row = n_exp * cap
    bq = 256
    f32 = jnp.float32

    xf = x.reshape(t, d)
    g1r, b1r = g1.reshape(1, d), b1.reshape(1, d)
    g2r, b2r = g2.reshape(1, d), b2.reshape(1, d)

    full = lambda shape: pl.BlockSpec(shape, lambda *a: tuple(0 for _ in shape))

    qkv3 = pl.pallas_call(
        functools.partial(_ln_qkv_body, dk=dk),
        grid=(t // bq,),
        in_specs=[pl.BlockSpec((bq, d), lambda i: (i, 0)),
                  pl.BlockSpec((1, d), lambda i: (0, 0)),
                  pl.BlockSpec((1, d), lambda i: (0, 0)),
                  pl.BlockSpec((3 * d, d), lambda i: (0, 0))],
        out_specs=pl.BlockSpec((3 * n_heads, bq, dk), lambda i: (0, i, 0)),
        out_shape=jax.ShapeDtypeStruct((3 * n_heads, t, dk), f32),
    )(xf, g1r, b1r, Wqkv)

    def attn_half(row0, tk):
        bqa = 1024
        nq = (t // 2) // bqa
        return pl.pallas_call(
            functools.partial(_attn_body, bq=bqa, tk=tk, dk=dk, row0=row0),
            grid=(n_heads, nq),
            in_specs=[
                pl.BlockSpec((1, bqa, dk),
                             lambda h, i: (h, (row0 // bqa) + i, 0)),
                pl.BlockSpec((1, tk, dk), lambda h, i: (n_heads + h, 0, 0)),
                pl.BlockSpec((1, tk, dk), lambda h, i: (2 * n_heads + h, 0, 0))],
            out_specs=pl.BlockSpec((1, bqa, dk), lambda h, i: (h, i, 0)),
            out_shape=jax.ShapeDtypeStruct((n_heads, t // 2, dk), f32),
        )(qkv3, qkv3, qkv3)

    attn_lo = attn_half(0, t // 2)
    attn_hi = attn_half(t // 2, t)

    i32 = jnp.int32
    x1, h, dsts2, srcs2, v0, v1, bal = pl.pallas_call(
        functools.partial(_router_body, t=t, n_exp=n_exp, cap=cap,
                          drop_row=drop_row),
        in_specs=[full((n_heads, t // 2, dk)), full((n_heads, t // 2, dk)),
                  full((d, d)), full((t, d)),
                  full((1, d)), full((1, d)), full((n_exp, d))],
        out_specs=[full((t, d)), full((t, d))] + [full((2 * t, 1))] * 2
        + [full((t, 1))] * 2 + [full((1, 1))],
        out_shape=[jax.ShapeDtypeStruct((t, d), f32),
                   jax.ShapeDtypeStruct((t, d), f32),
                   jax.ShapeDtypeStruct((2 * t, 1), i32),
                   jax.ShapeDtypeStruct((2 * t, 1), i32),
                   jax.ShapeDtypeStruct((t, 1), f32),
                   jax.ShapeDtypeStruct((t, 1), f32),
                   jax.ShapeDtypeStruct((1, 1), f32)],
    )(attn_lo, attn_hi, Wproj, xf, g2r, b2r, Wr)

    dsts = dsts2.reshape(2 * t)
    srcs = srcs2.reshape(2 * t)

    buf = _sc_scatter(h, dsts, n_rows, t, d)

    ybuf = pl.pallas_call(
        functools.partial(_ffn_body, d_ff=d_ff),
        grid=(n_exp,),
        in_specs=[pl.BlockSpec((cap, d), lambda e: (e, 0)),
                  pl.BlockSpec((1, 2 * d_ff, d), lambda e: (e, 0, 0)),
                  pl.BlockSpec((1, d, d_ff), lambda e: (e, 0, 0))],
        out_specs=pl.BlockSpec((cap, d), lambda e: (e, 0)),
        out_shape=jax.ShapeDtypeStruct((n_exp * cap, d), f32),
    )(buf, W1, W2)

    rows = _sc_gather(ybuf, srcs, t, d)

    y = pl.pallas_call(
        _combine_body,
        grid=(t // bq,),
        in_specs=[pl.BlockSpec((bq, d), lambda i: (i, 0)),
                  pl.BlockSpec((bq, d), lambda i: (i, 0)),
                  pl.BlockSpec((bq, d), lambda i: (i + t // bq, 0)),
                  pl.BlockSpec((bq, 1), lambda i: (i, 0)),
                  pl.BlockSpec((bq, 1), lambda i: (i, 0))],
        out_specs=pl.BlockSpec((bq, d), lambda i: (i, 0)),
        out_shape=jax.ShapeDtypeStruct((t, d), f32),
    )(x1, rows, rows, v0, v1)

    return y.reshape(b, t, d), bal[0, 0]

# --- scband reference (transcript-rebuilt; emitter-appended) ---
"""Pipeline reference for scband-transformer-block-10531259810703 (READ-ONLY COPY).

The authoritative reference and input builder live on the scoring server;
editing this copy changes nothing except your own understanding.
"""

import jax, jax.numpy as jnp
import numpy as np
import math

B, T = 1, 2048
D_MODEL, N_HEADS, D_FF, N_EXP = 768, 12, 512, 64
CAP_FACTOR = 1.25


def setup_inputs(seed: int = 0) -> dict:
    key = jax.random.key(seed)
    ks = jax.random.split(key, 8)
    s = lambda fan_in: 1.0 / np.sqrt(fan_in)
    x = jax.random.normal(ks[0], (B, T, D_MODEL), dtype=jnp.float32)
    g1 = jnp.ones((D_MODEL,), jnp.float32)
    b1 = jnp.zeros((D_MODEL,), jnp.float32)
    g2 = jnp.ones((D_MODEL,), jnp.float32)
    b2 = jnp.zeros((D_MODEL,), jnp.float32)
    Wqkv = jax.random.normal(ks[1], (3 * D_MODEL, D_MODEL), jnp.float32) * s(D_MODEL)
    Wproj = jax.random.normal(ks[2], (D_MODEL, D_MODEL), jnp.float32) * s(D_MODEL)
    Wr = jax.random.normal(ks[3], (N_EXP, D_MODEL), jnp.float32) * s(D_MODEL)
    W1 = jax.random.normal(ks[4], (N_EXP, 2 * D_FF, D_MODEL), jnp.float32) * s(D_MODEL)
    W2 = jax.random.normal(ks[5], (N_EXP, D_MODEL, D_FF), jnp.float32) * s(D_FF)
    return {"x": x, "g1": g1, "b1": b1, "Wqkv": Wqkv, "Wproj": Wproj,
            "g2": g2, "b2": b2, "Wr": Wr, "W1": W1, "W2": W2}


def _ln(x, g, b, eps=1e-5):
    mu = x.mean(axis=-1, keepdims=True)
    var = x.var(axis=-1, keepdims=True)
    return (x - mu) / jnp.sqrt(var + eps) * g + b


def _attn(x, Wqkv, Wproj):
    b, t, h = x.shape
    dk = h // N_HEADS
    qkv = (x @ Wqkv.T).reshape(b, t, 3, N_HEADS, dk)
    q = jnp.transpose(qkv[:, :, 0], (0, 2, 1, 3))
    k = jnp.transpose(qkv[:, :, 1], (0, 2, 1, 3))
    v = jnp.transpose(qkv[:, :, 2], (0, 2, 1, 3))
    att = (q @ jnp.swapaxes(k, -2, -1)) / math.sqrt(dk)
    mask = jnp.tril(jnp.ones((t, t), jnp.float32))[None, None]
    att = jnp.where(mask == 0, -1000000000.0, att)
    att = jax.nn.softmax(att, axis=-1)
    out = att @ v
    out = jnp.transpose(out, (0, 2, 1, 3)).reshape(b, t, h)
    return out @ Wproj.T


def _expert(xe, W1e, W2e):
    ab = xe @ W1e.T
    a, bb = jnp.split(ab, 2, axis=-1)
    return (jax.nn.silu(a) * bb) @ W2e.T


def reference(x, g1, b1, Wqkv, Wproj, g2, b2, Wr, W1, W2):
    # train=False path (router noise disabled for determinism)
    x1 = x + _attn(_ln(x, g1, b1), Wqkv, Wproj)
    h = _ln(x1, g2, b2)
    flat_x = h.reshape(-1, D_MODEL)
    logits = flat_x @ Wr.T
    gate = jax.nn.softmax(logits, axis=-1)
    top2_val, top2_idx = jax.lax.top_k(gate, 2)
    tokens = B * T
    cap = max(1, int(CAP_FACTOR * (tokens * 2 / N_EXP)))
    idx0 = top2_idx[:, 0]
    idx1 = top2_idx[:, 1]
    val0 = top2_val[:, 0]
    val1 = top2_val[:, 1]
    oh0 = jax.nn.one_hot(idx0, N_EXP, dtype=jnp.int32)
    oh1 = jax.nn.one_hot(idx1, N_EXP, dtype=jnp.int32)
    pos0 = (jnp.cumsum(oh0, axis=0) * oh0).sum(axis=-1) - 1
    keep0 = pos0 < cap
    used0 = (oh0 * keep0[:, None].astype(jnp.int32)).sum(axis=0)
    pos1 = (jnp.cumsum(oh1, axis=0) * oh1).sum(axis=-1) - 1
    keep1 = pos1 < jnp.take(cap - used0, idx1)
    used = used0 + (oh1 * keep1[:, None].astype(jnp.int32)).sum(axis=0)
    slot0 = jnp.where(keep0, pos0, cap)
    slot1 = jnp.where(keep1, jnp.take(used0, idx1) + pos1, cap)
    buf = jnp.zeros((N_EXP, cap, D_MODEL), flat_x.dtype)
    buf = buf.at[idx0, slot0].set(flat_x, mode="drop")
    buf = buf.at[idx1, slot1].set(flat_x, mode="drop")
    ybuf = jax.vmap(_expert)(buf, W1, W2)
    y0 = ybuf[idx0, jnp.minimum(slot0, cap - 1)]
    y1 = ybuf[idx1, jnp.minimum(slot1, cap - 1)]
    c0 = jnp.where(keep0[:, None], y0 * val0[:, None], 0.0)
    c1 = jnp.where(keep1[:, None], y1 * val1[:, None], 0.0)
    flat_y = jnp.zeros_like(flat_x) + c0 + c1
    y = x1 + flat_y.reshape(B, T, D_MODEL)
    prob_per_expert = gate.mean(axis=0)
    me = 1e-9
    frac_used = jnp.maximum(used.astype(jnp.float32), me) / (tokens * 2 + me)
    bal = (prob_per_expert * frac_used).sum() * N_EXP
    return (y, bal)

if __name__ == "__main__":
    import jax
    _d = setup_inputs()
    print(jax.jit(kernel)(*tuple(_d.values())))

</pallas_src>

<mosaic_0001>
#map = affine_map<(d0, d1) -> (0, 0)>
#map1 = affine_map<(d0, d1) -> (0)>
module attributes {stable_mosaic.version = 14 : i64} {
  func.func @k(%arg0: i32, %arg1: i32, %arg2: memref<5120x768xf32, #tpu.memory_space<hbm>>, %arg3: memref<4096xi32, #tpu.memory_space<hbm>>, %arg4: memref<4096x768xf32, #tpu.memory_space<hbm>>, %arg5: memref<128xi32, #tpu.memory_space<vmem>>, %arg6: memref<128x768xf32, #tpu.memory_space<vmem>>, %arg7: memref<!tpu.dma_semaphore, #tpu.memory_space<semaphore_mem>>) attributes {dimension_semantics = [#tpu.dimension_semantics<core_parallel>, #tpu.dimension_semantics<subcore_parallel>], iteration_bounds = array<i64: 2, 16>, scalar_prefetch = 0 : i64, scratch_operands = 3 : i64, tpu.core_type = #tpu.core_type<sc_vector_subcore>, window_params = [{transform_indices = #map}, {transform_indices = #map1}, {transform_indices = #map}]} {
    %mul3A = arith.constant 2 : i32
    %mul3A_0 = arith.muli %arg1, %mul3A : i32
    %add3A = arith.addi %mul3A_0, %arg0 : i32
    %mul3A_1 = arith.constant 128 : i32
    %mul3A_2 = arith.muli %add3A, %mul3A_1 : i32
    "tpu.region"() ({
      %run_scoped3A = tpu.sem_alloc : memref<!tpu.dma_semaphore, #tpu.memory_space<semaphore_mem>>
      %dma_start3A_7 = tpu.memref_slice %arg3[%mul3A_2] : memref<4096xi32, #tpu.memory_space<hbm>> -> memref<128xi32, #tpu.memory_space<hbm>>
      %dma_start3A_8 = tpu.memref_slice %arg3[%mul3A_2] : memref<4096xi32, #tpu.memory_space<hbm>> -> memref<128xi32, #tpu.memory_space<hbm>>
      tpu.enqueue_dma source(%dma_start3A_8 : memref<128xi32, #tpu.memory_space<hbm>>) target(%arg5 : memref<128xi32, #tpu.memory_space<vmem>>) target_semaphore(%run_scoped3A : memref<!tpu.dma_semaphore, #tpu.memory_space<semaphore_mem>>)
      %dma_wait3A_9 = tpu.memref_slice %arg3[%mul3A_2] : memref<4096xi32, #tpu.memory_space<hbm>> -> memref<128xi32, #tpu.memory_space<hbm>>
      %dma_wait3A_10 = tpu.memref_slice %arg3[%mul3A_2] : memref<4096xi32, #tpu.memory_space<hbm>> -> memref<128xi32, #tpu.memory_space<hbm>>
      tpu.wait_dma2 semaphore(%run_scoped3A : memref<!tpu.dma_semaphore, #tpu.memory_space<semaphore_mem>>) src(%dma_wait3A_10 : memref<128xi32, #tpu.memory_space<hbm>>) dst(%arg5 : memref<128xi32, #tpu.memory_space<vmem>>)
      tpu.yield
    }) : () -> ()
    %dma_start3A = arith.constant 0 : i32
    %dma_start3A_3 = arith.constant 0 : i32
    %dma_start3A_4 = tpu.memref_slice %arg2[%dma_start3A, %dma_start3A_3] : memref<5120x768xf32, #tpu.memory_space<hbm>> -> memref<5120x768xf32, #tpu.memory_space<hbm>>
    tpu.enqueue_indirect_dma source(%dma_start3A_4 : memref<5120x768xf32, #tpu.memory_space<hbm>>) target(%arg6 : memref<128x768xf32, #tpu.memory_space<vmem>>) offsets(%arg5 : memref<128xi32, #tpu.memory_space<vmem>>) semaphore(%arg7 : memref<!tpu.dma_semaphore, #tpu.memory_space<semaphore_mem>>)
    %dma_wait3A = arith.constant 0 : i32
    %dma_wait3A_5 = arith.constant 0 : i32
    %dma_wait3A_6 = tpu.memref_slice %arg2[%dma_wait3A, %dma_wait3A_5] : memref<5120x768xf32, #tpu.memory_space<hbm>> -> memref<5120x768xf32, #tpu.memory_space<hbm>>
    tpu.wait_indirect_dma semaphore(%arg7 : memref<!tpu.dma_semaphore, #tpu.memory_space<semaphore_mem>>) src(%dma_wait3A_6 : memref<5120x768xf32, #tpu.memory_space<hbm>>) dst(%arg6 : memref<128x768xf32, #tpu.memory_space<vmem>>)
    "tpu.region"() ({
      %run_scoped3A = tpu.sem_alloc : memref<!tpu.dma_semaphore, #tpu.memory_space<semaphore_mem>>
      %dma_start3A_7 = arith.constant 0 : i32
      %dma_start3A_8 = tpu.memref_slice %arg4[%mul3A_2, %dma_start3A_7] : memref<4096x768xf32, #tpu.memory_space<hbm>> -> memref<128x768xf32, #tpu.memory_space<hbm>>
      %dma_start3A_9 = arith.constant 0 : i32
      %dma_start3A_10 = tpu.memref_slice %arg4[%mul3A_2, %dma_start3A_9] : memref<4096x768xf32, #tpu.memory_space<hbm>> -> memref<128x768xf32, #tpu.memory_space<hbm>>
      tpu.enqueue_dma source(%arg6 : memref<128x768xf32, #tpu.memory_space<vmem>>) target(%dma_start3A_10 : memref<128x768xf32, #tpu.memory_space<hbm>>) target_semaphore(%run_scoped3A : memref<!tpu.dma_semaphore, #tpu.memory_space<semaphore_mem>>)
      %dma_wait3A_11 = arith.constant 0 : i32
      %dma_wait3A_12 = tpu.memref_slice %arg4[%mul3A_2, %dma_wait3A_11] : memref<4096x768xf32, #tpu.memory_space<hbm>> -> memref<128x768xf32, #tpu.memory_space<hbm>>
      %dma_wait3A_13 = arith.constant 0 : i32
      %dma_wait3A_14 = tpu.memref_slice %arg4[%mul3A_2, %dma_wait3A_13] : memref<4096x768xf32, #tpu.memory_space<hbm>> -> memref<128x768xf32, #tpu.memory_space<hbm>>
      tpu.wait_dma2 semaphore(%run_scoped3A : memref<!tpu.dma_semaphore, #tpu.memory_space<semaphore_mem>>) src(%arg6 : memref<128x768xf32, #tpu.memory_space<vmem>>) dst(%dma_wait3A_14 : memref<128x768xf32, #tpu.memory_space<hbm>>)
      tpu.yield
    }) : () -> ()
    return
  }
}

#map = affine_map<(d0, d1) -> (0, 0)>
#map1 = affine_map<(d0, d1) -> (0)>
module attributes {stable_mosaic.version = 14 : i64} {
  func.func @k(%arg0: i32, %arg1: i32, %arg2: memref<2048x768xf32, #tpu.memory_space<hbm>>, %arg3: memref<4096xi32, #tpu.memory_space<hbm>>, %arg4: memref<5200x768xf32, #tpu.memory_space<hbm>>, %arg5: memref<128xi32, #tpu.memory_space<vmem>>, %arg6: memref<128x768xf32, #tpu.memory_space<vmem>>, %arg7: memref<!tpu.dma_semaphore, #tpu.memory_space<semaphore_mem>>) attributes {dimension_semantics = [#tpu.dimension_semantics<core_parallel>, #tpu.dimension_semantics<subcore_parallel>], iteration_bounds = array<i64: 2, 16>, scalar_prefetch = 0 : i64, scratch_operands = 3 : i64, tpu.core_type = #tpu.core_type<sc_vector_subcore>, window_params = [{transform_indices = #map}, {transform_indices = #map1}, {transform_indices = #map}]} {
    %mul3A = arith.constant 2 : i32
    %mul3A_0 = arith.muli %arg1, %mul3A : i32
    %add3A = arith.addi %mul3A_0, %arg0 : i32
    %mul3A_1 = arith.constant 128 : i32
    %mul3A_2 = arith.muli %add3A, %mul3A_1 : i32
    %rem3A = arith.constant 2048 : i32
    %rem3A_3 = arith.remsi %mul3A_2, %rem3A : i32
    "tpu.region"() ({
      %run_scoped3A = tpu.sem_alloc : memref<!tpu.dma_semaphore, #tpu.memory_space<semaphore_mem>>
      %dma_start3A_8 = tpu.memref_slice %arg3[%mul3A_2] : memref<4096xi32, #tpu.memory_space<hbm>> -> memref<128xi32, #tpu.memory_space<hbm>>
      %dma_start3A_9 = tpu.memref_slice %arg3[%mul3A_2] : memref<4096xi32, #tpu.memory_space<hbm>> -> memref<128xi32, #tpu.memory_space<hbm>>
      tpu.enqueue_dma source(%dma_start3A_9 : memref<128xi32, #tpu.memory_space<hbm>>) target(%arg5 : memref<128xi32, #tpu.memory_space<vmem>>) target_semaphore(%run_scoped3A : memref<!tpu.dma_semaphore, #tpu.memory_space<semaphore_mem>>)
      %dma_wait3A_10 = tpu.memref_slice %arg3[%mul3A_2] : memref<4096xi32, #tpu.memory_space<hbm>> -> memref<128xi32, #tpu.memory_space<hbm>>
      %dma_wait3A_11 = tpu.memref_slice %arg3[%mul3A_2] : memref<4096xi32, #tpu.memory_space<hbm>> -> memref<128xi32, #tpu.memory_space<hbm>>
      tpu.wait_dma2 semaphore(%run_scoped3A : memref<!tpu.dma_semaphore, #tpu.memory_space<semaphore_mem>>) src(%dma_wait3A_11 : memref<128xi32, #tpu.memory_space<hbm>>) dst(%arg5 : memref<128xi32, #tpu.memory_space<vmem>>)
      tpu.yield
    }) : () -> ()
    "tpu.region"() ({
      %run_scoped3A = tpu.sem_alloc : memref<!tpu.dma_semaphore, #tpu.memory_space<semaphore_mem>>
      %dma_start3A_8 = arith.constant 0 : i32
      %dma_start3A_9 = tpu.memref_slice %arg2[%rem3A_3, %dma_start3A_8] : memref<2048x768xf32, #tpu.memory_space<hbm>> -> memref<128x768xf32, #tpu.memory_space<hbm>>
      %dma_start3A_10 = arith.constant 0 : i32
      %dma_start3A_11 = tpu.memref_slice %arg2[%rem3A_3, %dma_start3A_10] : memref<2048x768xf32, #tpu.memory_space<hbm>> -> memref<128x768xf32, #tpu.memory_space<hbm>>
      tpu.enqueue_dma source(%dma_start3A_11 : memref<128x768xf32, #tpu.memory_space<hbm>>) target(%arg6 : memref<128x768xf32, #tpu.memory_space<vmem>>) target_semaphore(%run_scoped3A : memref<!tpu.dma_semaphore, #tpu.memory_space<semaphore_mem>>)
      %dma_wait3A_12 = arith.constant 0 : i32
      %dma_wait3A_13 = tpu.memref_slice %arg2[%rem3A_3, %dma_wait3A_12] : memref<2048x768xf32, #tpu.memory_space<hbm>> -> memref<128x768xf32, #tpu.memory_space<hbm>>
      %dma_wait3A_14 = arith.constant 0 : i32
      %dma_wait3A_15 = tpu.memref_slice %arg2[%rem3A_3, %dma_wait3A_14] : memref<2048x768xf32, #tpu.memory_space<hbm>> -> memref<128x768xf32, #tpu.memory_space<hbm>>
      tpu.wait_dma2 semaphore(%run_scoped3A : memref<!tpu.dma_semaphore, #tpu.memory_space<semaphore_mem>>) src(%dma_wait3A_15 : memref<128x768xf32, #tpu.memory_space<hbm>>) dst(%arg6 : memref<128x768xf32, #tpu.memory_space<vmem>>)
      tpu.yield
    }) : () -> ()
    %dma_start3A = arith.constant 0 : i32
    %dma_start3A_4 = arith.constant 0 : i32
    %dma_start3A_5 = tpu.memref_slice %arg4[%dma_start3A, %dma_start3A_4] : memref<5200x768xf32, #tpu.memory_space<hbm>> -> memref<5200x768xf32, #tpu.memory_space<hbm>>
    tpu.enqueue_indirect_dma source(%arg6 : memref<128x768xf32, #tpu.memory_space<vmem>>) target(%dma_start3A_5 : memref<5200x768xf32, #tpu.memory_space<hbm>>) offsets(%arg5 : memref<128xi32, #tpu.memory_space<vmem>>) semaphore(%arg7 : memref<!tpu.dma_semaphore, #tpu.memory_space<semaphore_mem>>)
    %dma_wait3A = arith.constant 0 : i32
    %dma_wait3A_6 = arith.constant 0 : i32
    %dma_wait3A_7 = tpu.memref_slice %arg4[%dma_wait3A, %dma_wait3A_6] : memref<5200x768xf32, #tpu.memory_space<hbm>> -> memref<5200x768xf32, #tpu.memory_space<hbm>>
    tpu.wait_indirect_dma semaphore(%arg7 : memref<!tpu.dma_semaphore, #tpu.memory_space<semaphore_mem>>) src(%arg6 : memref<128x768xf32, #tpu.memory_space<vmem>>) dst(%dma_wait3A_7 : memref<5200x768xf32, #tpu.memory_space<hbm>>)
    return
  }
}

module attributes {stable_mosaic.version = 14 : i64} {
  func.func @_attn_body(%arg0: i32, %arg1: i32, %arg2: memref<1x1024x64xf32, #tpu.memory_space<vmem>>, %arg3: memref<1x1024x64xf32, #tpu.memory_space<vmem>>, %arg4: memref<1x1024x64xf32, #tpu.memory_space<vmem>>, %arg5: memref<1x1024x64xf32, #tpu.memory_space<vmem>>) attributes {dimension_semantics = [#tpu.dimension_semantics<arbitrary>, #tpu.dimension_semantics<arbitrary>], iteration_bounds = array<i64: 12, 1>, scalar_prefetch = 0 : i64, scratch_operands = 0 : i64, tpu.core_type = #tpu.core_type<tc>, window_params = [{transform_indices = @transform_0, window_bounds = array<i64: 1, 1024, 64>}, {transform_indices = @transform_1, window_bounds = array<i64: 1, 1024, 64>}, {transform_indices = @transform_2, window_bounds = array<i64: 1, 1024, 64>}, {transform_indices = @transform_3, window_bounds = array<i64: 1, 1024, 64>}]} {
    %get3A = arith.constant 0 : index
    %get3A_0 = arith.constant 0 : index
    %get3A_1 = arith.constant 0 : index
    %get3A_2 = vector.load %arg2[%get3A, %get3A_0, %get3A_1] : memref<1x1024x64xf32, #tpu.memory_space<vmem>>, vector<1x1024x64xf32>
    %get3A_3 = vector.shape_cast %get3A_2 : vector<1x1024x64xf32> to vector<1024x64xf32>
    %mul3A = arith.constant 1.250000e-01 : f32
    %mul3A_4 = vector.broadcast %mul3A : f32 to vector<1024x64xf32>
    %mul3A_5 = arith.mulf %get3A_3, %mul3A_4 : vector<1024x64xf32>
    %convert_element_type3A = arith.truncf %mul3A_5 : vector<1024x64xf32> to vector<1024x64xbf16>
    %get3A_6 = arith.constant 0 : index
    %get3A_7 = arith.constant 0 : index
    %get3A_8 = arith.constant 0 : index
    %get3A_9 = vector.load %arg3[%get3A_6, %get3A_7, %get3A_8] : memref<1x1024x64xf32, #tpu.memory_space<vmem>>, vector<1x1024x64xf32>
    %get3A_10 = vector.shape_cast %get3A_9 : vector<1x1024x64xf32> to vector<1024x64xf32>
    %convert_element_type3A_11 = arith.truncf %get3A_10 : vector<1024x64xf32> to vector<1024x64xbf16>
    %dot_general3A = arith.constant dense<0.000000e+00> : vector<1024x1024xf32>
    %dot_general3A_12 = tpu.matmul %convert_element_type3A, %convert_element_type3A_11, %dot_general3A {dimension_numbers = #tpu.dot_dimension_numbers<[1], [1], [0], [0], [0, 0, 1, 0], [], []>, transpose_lhs_hint = false} : vector<1024x64xbf16>, vector<1024x64xbf16>, vector<1024x1024xf32> -> vector<1024x1024xf32>
    %exp3A = math.exp %dot_general3A_12 : vector<1024x1024xf32>
    %mul3A_13 = arith.constant 1024 : i32
    %mul3A_14 = arith.muli %arg1, %mul3A_13 : i32
    %add3A = arith.constant 0 : i32
    %add3A_15 = arith.addi %add3A, %mul3A_14 : i32
    %iota3A = tpu.iota {dimensions = array<i32: 0>} : vector<1024x1024xi32>
    %add3A_16 = vector.broadcast %add3A_15 : i32 to vector<1024x1024xi32>
    %add3A_17 = arith.addi %add3A_16, %iota3A : vector<1024x1024xi32>
    %iota3A_18 = tpu.iota {dimensions = array<i32: 1>} : vector<1024x1024xi32>
    %ge3A = arith.cmpi sge, %add3A_17, %iota3A_18 : vector<1024x1024xi32>
    %jit3A = arith.constant 0.000000e+00 : f32
    %broadcast_in_dim3A = vector.broadcast %jit3A : f32 to vector<1024x1024xf32>
    %select_n3A = arith.select %ge3A, %exp3A, %broadcast_in_dim3A : vector<1024x1024xi1>, vector<1024x1024xf32>
    %reduce_sum3A = arith.constant dense<0.000000e+00> : vector<1024xf32>
    %reduce_sum3A_19 = vector.multi_reduction <add>, %select_n3A, %reduce_sum3A [1] : vector<1024x1024xf32> to vector<1024xf32>
    %broadcast_in_dim3A_20 = vector.shape_cast %reduce_sum3A_19 : vector<1024xf32> to vector<1024x1xf32>
    %get3A_21 = arith.constant 0 : index
    %get3A_22 = arith.constant 0 : index
    %get3A_23 = arith.constant 0 : index
    %get3A_24 = vector.load %arg4[%get3A_21, %get3A_22, %get3A_23] : memref<1x1024x64xf32, #tpu.memory_space<vmem>>, vector<1x1024x64xf32>
    %get3A_25 = vector.shape_cast %get3A_24 : vector<1x1024x64xf32> to vector<1024x64xf32>
    %convert_element_type3A_26 = arith.truncf %select_n3A : vector<1024x1024xf32> to vector<1024x1024xbf16>
    %convert_element_type3A_27 = arith.truncf %get3A_25 : vector<1024x64xf32> to vector<1024x64xbf16>
    %dot_general3A_28 = arith.constant dense<0.000000e+00> : vector<1024x64xf32>
    %dot_general3A_29 = tpu.matmul %convert_element_type3A_26, %convert_element_type3A_27, %dot_general3A_28 {dimension_numbers = #tpu.dot_dimension_numbers<[1], [0], [0], [1], [0, 0, 1, 1], [], []>, transpose_lhs_hint = false} : vector<1024x1024xbf16>, vector<1024x64xbf16>, vector<1024x64xf32> -> vector<1024x64xf32>
    %div3A = vector.broadcast %broadcast_in_dim3A_20 : vector<1024x1xf32> to vector<1024x64xf32>
    %div3A_30 = arith.divf %dot_general3A_29, %div3A : vector<1024x64xf32>
    %swap3A = arith.constant 0 : index
    %swap3A_31 = arith.constant 0 : index
    %swap3A_32 = arith.constant 0 : index
    %swap3A_33 = vector.load %arg5[%swap3A, %swap3A_31, %swap3A_32] : memref<1x1024x64xf32, #tpu.memory_space<vmem>>, vector<1x1024x64xf32>
    %swap3A_34 = vector.shape_cast %swap3A_33 : vector<1x1024x64xf32> to vector<1024x64xf32>
    %swap3A_35 = vector.shape_cast %div3A_30 : vector<1024x64xf32> to vector<1x1024x64xf32>
    tpu.vector_store %arg5[%swap3A, %swap3A_31, %swap3A_32], %swap3A_35 {strides = array<i32>} : memref<1x1024x64xf32, #tpu.memory_space<vmem>>, vector<1x1024x64xf32>,
    return
  }
  func.func @transform_0(%arg0: i32, %arg1: i32) -> (i32, i32, i32) {
    %add3A = arith.constant 0 : i32
    %add3A_0 = arith.addi %add3A, %arg1 : i32
    %c0_i32 = arith.constant 0 : i32
    %c0_i32_1 = arith.constant 0 : i32
    return %arg0, %add3A_0, %c0_i32 : i32, i32, i32
  }
  func.func @transform_1(%arg0: i32, %arg1: i32) -> (i32, i32, i32) {
    %add3A = arith.constant 12 : i32
    %add3A_0 = arith.addi %add3A, %arg0 : i32
    %c0_i32 = arith.constant 0 : i32
    %c0_i32_1 = arith.constant 0 : i32
    %c0_i32_2 = arith.constant 0 : i32
    return %add3A_0, %c0_i32, %c0_i32_1 : i32, i32, i32
  }
  func.func @transform_2(%arg0: i32, %arg1: i32) -> (i32, i32, i32) {
    %add3A = arith.constant 24 : i32
    %add3A_0 = arith.addi %add3A, %arg0 : i32
    %c0_i32 = arith.constant 0 : i32
    %c0_i32_1 = arith.constant 0 : i32
    %c0_i32_2 = arith.constant 0 : i32
    return %add3A_0, %c0_i32, %c0_i32_1 : i32, i32, i32
  }
  func.func @transform_3(%arg0: i32, %arg1: i32) -> (i32, i32, i32) {
    %c0_i32 = arith.constant 0 : i32
    %c0_i32_0 = arith.constant 0 : i32
    return %arg0, %arg1, %c0_i32 : i32, i32, i32
  }
}

module attributes {stable_mosaic.version = 14 : i64} {
  func.func @_attn_body(%arg0: i32, %arg1: i32, %arg2: memref<1x1024x64xf32, #tpu.memory_space<vmem>>, %arg3: memref<1x2048x64xf32, #tpu.memory_space<vmem>>, %arg4: memref<1x2048x64xf32, #tpu.memory_space<vmem>>, %arg5: memref<1x1024x64xf32, #tpu.memory_space<vmem>>) attributes {dimension_semantics = [#tpu.dimension_semantics<arbitrary>, #tpu.dimension_semantics<arbitrary>], iteration_bounds = array<i64: 12, 1>, scalar_prefetch = 0 : i64, scratch_operands = 0 : i64, tpu.core_type = #tpu.core_type<tc>, window_params = [{transform_indices = @transform_0, window_bounds = array<i64: 1, 1024, 64>}, {transform_indices = @transform_1, window_bounds = array<i64: 1, 2048, 64>}, {transform_indices = @transform_2, window_bounds = array<i64: 1, 2048, 64>}, {transform_indices = @transform_3, window_bounds = array<i64: 1, 1024, 64>}]} {
    %get3A = arith.constant 0 : index
    %get3A_0 = arith.constant 0 : index
    %get3A_1 = arith.constant 0 : index
    %get3A_2 = vector.load %arg2[%get3A, %get3A_0, %get3A_1] : memref<1x1024x64xf32, #tpu.memory_space<vmem>>, vector<1x1024x64xf32>
    %get3A_3 = vector.shape_cast %get3A_2 : vector<1x1024x64xf32> to vector<1024x64xf32>
    %mul3A = arith.constant 1.250000e-01 : f32
    %mul3A_4 = vector.broadcast %mul3A : f32 to vector<1024x64xf32>
    %mul3A_5 = arith.mulf %get3A_3, %mul3A_4 : vector<1024x64xf32>
    %convert_element_type3A = arith.truncf %mul3A_5 : vector<1024x64xf32> to vector<1024x64xbf16>
    %get3A_6 = arith.constant 0 : index
    %get3A_7 = arith.constant 0 : index
    %get3A_8 = arith.constant 0 : index
    %get3A_9 = vector.load %arg3[%get3A_6, %get3A_7, %get3A_8] : memref<1x2048x64xf32, #tpu.memory_space<vmem>>, vector<1x2048x64xf32>
    %get3A_10 = vector.shape_cast %get3A_9 : vector<1x2048x64xf32> to vector<2048x64xf32>
    %convert_element_type3A_11 = arith.truncf %get3A_10 : vector<2048x64xf32> to vector<2048x64xbf16>
    %dot_general3A = arith.constant dense<0.000000e+00> : vector<1024x2048xf32>
    %dot_general3A_12 = tpu.matmul %convert_element_type3A, %convert_element_type3A_11, %dot_general3A {dimension_numbers = #tpu.dot_dimension_numbers<[1], [1], [0], [0], [0, 0, 1, 0], [], []>, transpose_lhs_hint = false} : vector<1024x64xbf16>, vector<2048x64xbf16>, vector<1024x2048xf32> -> vector<1024x2048xf32>
    %exp3A = math.exp %dot_general3A_12 : vector<1024x2048xf32>
    %mul3A_13 = arith.constant 1024 : i32
    %mul3A_14 = arith.muli %arg1, %mul3A_13 : i32
    %add3A = arith.constant 1024 : i32
    %add3A_15 = arith.addi %add3A, %mul3A_14 : i32
    %iota3A = tpu.iota {dimensions = array<i32: 0>} : vector<1024x2048xi32>
    %add3A_16 = vector.broadcast %add3A_15 : i32 to vector<1024x2048xi32>
    %add3A_17 = arith.addi %add3A_16, %iota3A : vector<1024x2048xi32>
    %iota3A_18 = tpu.iota {dimensions = array<i32: 1>} : vector<1024x2048xi32>
    %ge3A = arith.cmpi sge, %add3A_17, %iota3A_18 : vector<1024x2048xi32>
    %jit3A = arith.constant 0.000000e+00 : f32
    %broadcast_in_dim3A = vector.broadcast %jit3A : f32 to vector<1024x2048xf32>
    %select_n3A = arith.select %ge3A, %exp3A, %broadcast_in_dim3A : vector<1024x2048xi1>, vector<1024x2048xf32>
    %reduce_sum3A = arith.constant dense<0.000000e+00> : vector<1024xf32>
    %reduce_sum3A_19 = vector.multi_reduction <add>, %select_n3A, %reduce_sum3A [1] : vector<1024x2048xf32> to vector<1024xf32>
    %broadcast_in_dim3A_20 = vector.shape_cast %reduce_sum3A_19 : vector<1024xf32> to vector<1024x1xf32>
    %get3A_21 = arith.constant 0 : index
    %get3A_22 = arith.constant 0 : index
    %get3A_23 = arith.constant 0 : index
    %get3A_24 = vector.load %arg4[%get3A_21, %get3A_22, %get3A_23] : memref<1x2048x64xf32, #tpu.memory_space<vmem>>, vector<1x2048x64xf32>
    %get3A_25 = vector.shape_cast %get3A_24 : vector<1x2048x64xf32> to vector<2048x64xf32>
    %convert_element_type3A_26 = arith.truncf %select_n3A : vector<1024x2048xf32> to vector<1024x2048xbf16>
    %convert_element_type3A_27 = arith.truncf %get3A_25 : vector<2048x64xf32> to vector<2048x64xbf16>
    %dot_general3A_28 = arith.constant dense<0.000000e+00> : vector<1024x64xf32>
    %dot_general3A_29 = tpu.matmul %convert_element_type3A_26, %convert_element_type3A_27, %dot_general3A_28 {dimension_numbers = #tpu.dot_dimension_numbers<[1], [0], [0], [1], [0, 0, 1, 1], [], []>, transpose_lhs_hint = false} : vector<1024x2048xbf16>, vector<2048x64xbf16>, vector<1024x64xf32> -> vector<1024x64xf32>
    %div3A = vector.broadcast %broadcast_in_dim3A_20 : vector<1024x1xf32> to vector<1024x64xf32>
    %div3A_30 = arith.divf %dot_general3A_29, %div3A : vector<1024x64xf32>
    %swap3A = arith.constant 0 : index
    %swap3A_31 = arith.constant 0 : index
    %swap3A_32 = arith.constant 0 : index
    %swap3A_33 = vector.load %arg5[%swap3A, %swap3A_31, %swap3A_32] : memref<1x1024x64xf32, #tpu.memory_space<vmem>>, vector<1x1024x64xf32>
    %swap3A_34 = vector.shape_cast %swap3A_33 : vector<1x1024x64xf32> to vector<1024x64xf32>
    %swap3A_35 = vector.shape_cast %div3A_30 : vector<1024x64xf32> to vector<1x1024x64xf32>
    tpu.vector_store %arg5[%swap3A, %swap3A_31, %swap3A_32], %swap3A_35 {strides = array<i32>} : memref<1x1024x64xf32, #tpu.memory_space<vmem>>, vector<1x1024x64xf32>,
    return
  }
  func.func @transform_0(%arg0: i32, %arg1: i32) -> (i32, i32, i32) {
    %add3A = arith.constant 1 : i32
    %add3A_0 = arith.addi %add3A, %arg1 : i32
    %c0_i32 = arith.constant 0 : i32
    %c0_i32_1 = arith.constant 0 : i32
    return %arg0, %add3A_0, %c0_i32 : i32, i32, i32
  }
  func.func @transform_1(%arg0: i32, %arg1: i32) -> (i32, i32, i32) {
    %add3A = arith.constant 12 : i32
    %add3A_0 = arith.addi %add3A, %arg0 : i32
    %c0_i32 = arith.constant 0 : i32
    %c0_i32_1 = arith.constant 0 : i32
    %c0_i32_2 = arith.constant 0 : i32
    return %add3A_0, %c0_i32, %c0_i32_1 : i32, i32, i32
  }
  func.func @transform_2(%arg0: i32, %arg1: i32) -> (i32, i32, i32) {
    %add3A = arith.constant 24 : i32
    %add3A_0 = arith.addi %add3A, %arg0 : i32
    %c0_i32 = arith.constant 0 : i32
    %c0_i32_1 = arith.constant 0 : i32
    %c0_i32_2 = arith.constant 0 : i32
    return %add3A_0, %c0_i32, %c0_i32_1 : i32, i32, i32
  }
  func.func @transform_3(%arg0: i32, %arg1: i32) -> (i32, i32, i32) {
    %c0_i32 = arith.constant 0 : i32
    %c0_i32_0 = arith.constant 0 : i32
    return %arg0, %arg1, %c0_i32 : i32, i32, i32
  }
}

module attributes {stable_mosaic.version = 14 : i64} {
  func.func @_ln_qkv_body(%arg0: i32, %arg1: memref<256x768xf32, #tpu.memory_space<vmem>>, %arg2: memref<1x768xf32, #tpu.memory_space<vmem>>, %arg3: memref<1x768xf32, #tpu.memory_space<vmem>>, %arg4: memref<2304x768xf32, #tpu.memory_space<vmem>>, %arg5: memref<36x256x64xf32, #tpu.memory_space<vmem>>) attributes {dimension_semantics = [#tpu.dimension_semantics<arbitrary>], iteration_bounds = array<i64: 8>, scalar_prefetch = 0 : i64, scratch_operands = 0 : i64, tpu.core_type = #tpu.core_type<tc>, window_params = [{transform_indices = @transform_0, window_bounds = array<i64: 256, 768>}, {pipeline_mode = #tpu.pipeline_mode<synchronous>, transform_indices = @transform_1, window_bounds = array<i64: 1, 768>}, {pipeline_mode = #tpu.pipeline_mode<synchronous>, transform_indices = @transform_2, window_bounds = array<i64: 1, 768>}, {pipeline_mode = #tpu.pipeline_mode<synchronous>, transform_indices = @transform_3, window_bounds = array<i64: 2304, 768>}, {transform_indices = @transform_4, window_bounds = array<i64: 36, 256, 64>}]} {
    %get3A = arith.constant 0 : index
    %get3A_0 = arith.constant 0 : index
    %get3A_1 = vector.load %arg1[%get3A, %get3A_0] : memref<256x768xf32, #tpu.memory_space<vmem>>, vector<256x768xf32>
    %get3A_2 = arith.constant 0 : index
    %get3A_3 = arith.constant 0 : index
    %get3A_4 = vector.load %arg2[%get3A_2, %get3A_3] : memref<1x768xf32, #tpu.memory_space<vmem>>, vector<1x768xf32>
    %get3A_5 = arith.constant 0 : index
    %get3A_6 = arith.constant 0 : index
    %get3A_7 = vector.load %arg3[%get3A_5, %get3A_6] : memref<1x768xf32, #tpu.memory_space<vmem>>, vector<1x768xf32>
    %reduce_sum3A = arith.constant dense<0.000000e+00> : vector<256xf32>
    %reduce_sum3A_8 = vector.multi_reduction <add>, %get3A_1, %reduce_sum3A [1] : vector<256x768xf32> to vector<256xf32>
    %broadcast_in_dim3A = vector.shape_cast %reduce_sum3A_8 : vector<256xf32> to vector<256x1xf32>
    %div3A = arith.constant 7.680000e+02 : f32
    %div3A_9 = vector.broadcast %div3A : f32 to vector<256x1xf32>
    %div3A_10 = arith.divf %broadcast_in_dim3A, %div3A_9 : vector<256x1xf32>
    %jit3A = arith.constant 0 : i32
    %reduce_sum3A_11 = arith.constant dense<0.000000e+00> : vector<256xf32>
    %reduce_sum3A_12 = vector.multi_reduction <add>, %get3A_1, %reduce_sum3A_11 [1] : vector<256x768xf32> to vector<256xf32>
    %broadcast_in_dim3A_13 = vector.shape_cast %reduce_sum3A_12 : vector<256xf32> to vector<256x1xf32>
    %div3A_14 = arith.constant 7.680000e+02 : f32
    %div3A_15 = vector.broadcast %div3A_14 : f32 to vector<256x1xf32>
    %div3A_16 = arith.divf %broadcast_in_dim3A_13, %div3A_15 : vector<256x1xf32>
    %sub3A = vector.broadcast %div3A_16 : vector<256x1xf32> to vector<256x768xf32>
    %sub3A_17 = arith.subf %get3A_1, %sub3A : vector<256x768xf32>
    %square3A = arith.mulf %sub3A_17, %sub3A_17 : vector<256x768xf32>
    %convert_element_type3A = arith.sitofp %jit3A : i32 to f32
    %sub3A_18 = arith.constant 7.680000e+02 : f32
    %sub3A_19 = arith.subf %sub3A_18, %convert_element_type3A : f32
    %reduce_sum3A_20 = arith.constant dense<0.000000e+00> : vector<256xf32>
    %reduce_sum3A_21 = vector.multi_reduction <add>, %square3A, %reduce_sum3A_20 [1] : vector<256x768xf32> to vector<256xf32>
    %broadcast_in_dim3A_22 = vector.shape_cast %reduce_sum3A_21 : vector<256xf32> to vector<256x1xf32>
    %div3A_23 = vector.broadcast %sub3A_19 : f32 to vector<256x1xf32>
    %div3A_24 = arith.divf %broadcast_in_dim3A_22, %div3A_23 : vector<256x1xf32>
    %gt3A = arith.constant 0.000000e+00 : f32
    %gt3A_25 = arith.cmpf ogt, %sub3A_19, %gt3A : f32
    %jit3A_26 = arith.constant 0x7FC00000 : f32
    %broadcast_in_dim3A_27 = vector.broadcast %jit3A_26 : f32 to vector<256x1xf32>
    %select_n3A = arith.select %gt3A_25, %div3A_24, %broadcast_in_dim3A_27 : vector<256x1xf32>
    %sub3A_28 = vector.broadcast %div3A_10 : vector<256x1xf32> to vector<256x768xf32>
    %sub3A_29 = arith.subf %get3A_1, %sub3A_28 : vector<256x768xf32>
    %add3A = arith.constant 9.99999974E-6 : f32
    %add3A_30 = vector.broadcast %add3A : f32 to vector<256x1xf32>
    %add3A_31 = arith.addf %select_n3A, %add3A_30 : vector<256x1xf32>
    %sqrt3A = math.sqrt %add3A_31 : vector<256x1xf32>
    %div3A_32 = vector.broadcast %sqrt3A : vector<256x1xf32> to vector<256x768xf32>
    %div3A_33 = arith.divf %sub3A_29, %div3A_32 : vector<256x768xf32>
    %mul3A = vector.broadcast %get3A_4 : vector<1x768xf32> to vector<256x768xf32>
    %mul3A_34 = arith.mulf %div3A_33, %mul3A : vector<256x768xf32>
    %add3A_35 = vector.broadcast %get3A_7 : vector<1x768xf32> to vector<256x768xf32>
    %add3A_36 = arith.addf %mul3A_34, %add3A_35 : vector<256x768xf32>
    %get3A_37 = arith.constant 0 : index
    %get3A_38 = arith.constant 0 : index
    %get3A_39 = vector.load %arg4[%get3A_37, %get3A_38] : memref<2304x768xf32, #tpu.memory_space<vmem>>, vector<2304x768xf32>
    %convert_element_type3A_40 = arith.truncf %add3A_36 : vector<256x768xf32> to vector<256x768xbf16>
    %convert_element_type3A_41 = arith.truncf %get3A_39 : vector<2304x768xf32> to vector<2304x768xbf16>
    %dot_general3A = arith.constant dense<0.000000e+00> : vector<256x2304xf32>
    %dot_general3A_42 = tpu.matmul %convert_element_type3A_40, %convert_element_type3A_41, %dot_general3A {dimension_numbers = #tpu.dot_dimension_numbers<[1], [1], [0], [0], [0, 0, 1, 0], [], []>, transpose_lhs_hint = false} : vector<256x768xbf16>, vector<2304x768xbf16>, vector<256x2304xf32> -> vector<256x2304xf32>
    %slice3A = vector.extract_strided_slice %dot_general3A_42 {offsets = [0, 0], sizes = [256, 64], strides = [1, 1]} : vector<256x2304xf32> to vector<256x64xf32>
    %swap3A = arith.constant 0 : index
    %swap3A_43 = arith.constant 0 : index
    %swap3A_44 = arith.constant 0 : index
    %swap3A_45 = vector.load %arg5[%swap3A, %swap3A_43, %swap3A_44] : memref<36x256x64xf32, #tpu.memory_space<vmem>>, vector<1x256x64xf32>
    %swap3A_46 = vector.shape_cast %swap3A_45 : vector<1x256x64xf32> to vector<256x64xf32>
    %swap3A_47 = vector.shape_cast %slice3A : vector<256x64xf32> to vector<1x256x64xf32>
    tpu.vector_store %arg5[%swap3A, %swap3A_43, %swap3A_44], %swap3A_47 {strides = array<i32>} : memref<36x256x64xf32, #tpu.memory_space<vmem>>, vector<1x256x64xf32>,
    %slice3A_48 = vector.extract_strided_slice %dot_general3A_42 {offsets = [0, 64], sizes = [256, 64], strides = [1, 1]} : vector<256x2304xf32> to vector<256x64xf32>
    %swap3A_49 = arith.constant 1 : index
    %swap3A_50 = arith.constant 0 : index
    %swap3A_51 = arith.constant 0 : index
    %swap3A_52 = vector.load %arg5[%swap3A_49, %swap3A_50, %swap3A_51] : memref<36x256x64xf32, #tpu.memory_space<vmem>>, vector<1x256x64xf32>
    %swap3A_53 = vector.shape_cast %swap3A_52 : vector<1x256x64xf32> to vector<256x64xf32>
    %swap3A_54 = vector.shape_cast %slice3A_48 : vector<256x64xf32> to vector<1x256x64xf32>
    tpu.vector_store %arg5[%swap3A_49, %swap3A_50, %swap3A_51], %swap3A_54 {strides = array<i32>} : memref<36x256x64xf32, #tpu.memory_space<vmem>>, vector<1x256x64xf32>,
    %slice3A_55 = vector.extract_strided_slice %dot_general3A_42 {offsets = [0, 128], sizes = [256, 64], strides = [1, 1]} : vector<256x2304xf32> to vector<256x64xf32>
    %swap3A_56 = arith.constant 2 : index
    %swap3A_57 = arith.constant 0 : index
    %swap3A_58 = arith.constant 0 : index
    %swap3A_59 = vector.load %arg5[%swap3A_56, %swap3A_57, %swap3A_58] : memref<36x256x64xf32, #tpu.memory_space<vmem>>, vector<1x256x64xf32>
    %swap3A_60 = vector.shape_cast %swap3A_59 : vector<1x256x64xf32> to vector<256x64xf32>
    %swap3A_61 = vector.shape_cast %slice3A_55 : vector<256x64xf32> to vector<1x256x64xf32>
    tpu.vector_store %arg5[%swap3A_56, %swap3A_57, %swap3A_58], %swap3A_61 {strides = array<i32>} : memref<36x256x64xf32, #tpu.memory_space<vmem>>, vector<1x256x64xf32>,
    %slice3A_62 = vector.extract_strided_slice %dot_general3A_42 {offsets = [0, 192], sizes = [256, 64], strides = [1, 1]} : vector<256x2304xf32> to vector<256x64xf32>
    %swap3A_63 = arith.constant 3 : index
    %swap3A_64 = arith.constant 0 : index
    %swap3A_65 = arith.constant 0 : index
    %swap3A_66 = vector.load %arg5[%swap3A_63, %swap3A_64, %swap3A_65] : memref<36x256x64xf32, #tpu.memory_space<vmem>>, vector<1x256x64xf32>
    %swap3A_67 = vector.shape_cast %swap3A_66 : vector<1x256x64xf32> to vector<256x64xf32>
    %swap3A_68 = vector.shape_cast %slice3A_62 : vector<256x64xf32> to vector<1x256x64xf32>
    tpu.vector_store %arg5[%swap3A_63, %swap3A_64, %swap3A_65], %swap3A_68 {strides = array<i32>} : memref<36x256x64xf32, #tpu.memory_space<vmem>>, vector<1x256x64xf32>,
    %slice3A_69 = vector.extract_strided_slice %dot_general3A_42 {offsets = [0, 256], sizes = [256, 64], strides = [1, 1]} : vector<256x2304xf32> to vector<256x64xf32>
    %swap3A_70 = arith.constant 4 : index
    %swap3A_71 = arith.constant 0 : index
    %swap3A_72 = arith.constant 0 : index
    %swap3A_73 = vector.load %arg5[%swap3A_70, %swap3A_71, %swap3A_72] : memref<36x256x64xf32, #tpu.memory_space<vmem>>, vector<1x256x64xf32>
    %swap3A_74 = vector.shape_cast %swap3A_73 : vector<1x256x64xf32> to vector<256x64xf32>
    %swap3A_75 = vector.shape_cast %slice3A_69 : vector<256x64xf32> to vector<1x256x64xf32>
    tpu.vector_store %arg5[%swap3A_70, %swap3A_71, %swap3A_72], %swap3A_75 {strides = array<i32>} : memref<36x256x64xf32, #tpu.memory_space<vmem>>, vector<1x256x64xf32>,
    %slice3A_76 = vector.extract_strided_slice %dot_general3A_42 {offsets = [0, 320], sizes = [256, 64], strides = [1, 1]} : vector<256x2304xf32> to vector<256x64xf32>
    %swap3A_77 = arith.constant 5 : index
    %swap3A_78 = arith.constant 0 : index
    %swap3A_79 = arith.constant 0 : index
    %swap3A_80 = vector.load %arg5[%swap3A_77, %swap3A_78, %swap3A_79] : memref<36x256x64xf32, #tpu.memory_space<vmem>>, vector<1x256x64xf32>
    %swap3A_81 = vector.shape_cast %swap3A_80 : vector<1x256x64xf32> to vector<256x64xf32>
    %swap3A_82 = vector.shape_cast %slice3A_76 : vector<256x64xf32> to vector<1x256x64xf32>
    tpu.vector_store %arg5[%swap3A_77, %swap3A_78, %swap3A_79], %swap3A_82 {strides = array<i32>} : memref<36x256x64xf32, #tpu.memory_space<vmem>>, vector<1x256x64xf32>,
    %slice3A_83 = vector.extract_strided_slice %dot_general3A_42 {offsets = [0, 384], sizes = [256, 64], strides = [1, 1]} : vector<256x2304xf32> to vector<256x64xf32>
    %swap3A_84 = arith.constant 6 : index
    %swap3A_85 = arith.constant 0 : index
    %swap3A_86 = arith.constant 0 : index
    %swap3A_87 = vector.load %arg5[%swap3A_84, %swap3A_85, %swap3A_86] : memref<36x256x64xf32, #tpu.memory_space<vmem>>, vector<1x256x64xf32>
    %swap3A_88 = vector.shape_cast %swap3A_87 : vector<1x256x64xf32> to vector<256x64xf32>
    %swap3A_89 = vector.shape_cast %slice3A_83 : vector<256x64xf32> to vector<1x256x64xf32>
    tpu.vector_store %arg5[%swap3A_84, %swap3A_85, %swap3A_86], %swap3A_89 {strides = array<i32>} : memref<36x256x64xf32, #tpu.memory_space<vmem>>, vector<1x256x64xf32>,
    %slice3A_90 = vector.extract_strided_slice %dot_general3A_42 {offsets = [0, 448], sizes = [256, 64], strides = [1, 1]} : vector<256x2304xf32> to vector<256x64xf32>
    %swap3A_91 = arith.constant 7 : index
    %swap3A_92 = arith.constant 0 : index
    %swap3A_93 = arith.constant 0 : index
    %swap3A_94 = vector.load %arg5[%swap3A_91, %swap3A_92, %swap3A_93] : memref<36x256x64xf32, #tpu.memory_space<vmem>>, vector<1x256x64xf32>
    %swap3A_95 = vector.shape_cast %swap3A_94 : vector<1x256x64xf32> to vector<256x64xf32>
    %swap3A_96 = vector.shape_cast %slice3A_90 : vector<256x64xf32> to vector<1x256x64xf32>
    tpu.vector_store %arg5[%swap3A_91, %swap3A_92, %swap3A_93], %swap3A_96 {strides = array<i32>} : memref<36x256x64xf32, #tpu.memory_space<vmem>>, vector<1x256x64xf32>,
    %slice3A_97 = vector.extract_strided_slice %dot_general3A_42 {offsets = [0, 512], sizes = [256, 64], strides = [1, 1]} : vector<256x2304xf32> to vector<256x64xf32>
    %swap3A_98 = arith.constant 8 : index
    %swap3A_99 = arith.constant 0 : index
    %swap3A_100 = arith.constant 0 : index
    %swap3A_101 = vector.load %arg5[%swap3A_98, %swap3A_99, %swap3A_100] : memref<36x256x64xf32, #tpu.memory_space<vmem>>, vector<1x256x64xf32>
    %swap3A_102 = vector.shape_cast %swap3A_101 : vector<1x256x64xf32> to vector<256x64xf32>
    %swap3A_103 = vector.shape_cast %slice3A_97 : vector<256x64xf32> to vector<1x256x64xf32>
    tpu.vector_store %arg5[%swap3A_98, %swap3A_99, %swap3A_100], %swap3A_103 {strides = array<i32>} : memref<36x256x64xf32, #tpu.memory_space<vmem>>, vector<1x256x64xf32>,
    %slice3A_104 = vector.extract_strided_slice %dot_general3A_42 {offsets = [0, 576], sizes = [256, 64], strides = [1, 1]} : vector<256x2304xf32> to vector<256x64xf32>
    %swap3A_105 = arith.constant 9 : index
    %swap3A_106 = arith.constant 0 : index
    %swap3A_107 = arith.constant 0 : index
    %swap3A_108 = vector.load %arg5[%swap3A_105, %swap3A_106, %swap3A_107] : memref<36x256x64xf32, #tpu.memory_space<vmem>>, vector<1x256x64xf32>
    %swap3A_109 = vector.shape_cast %swap3A_108 : vector<1x256x64xf32> to vector<256x64xf32>
    %swap3A_110 = vector.shape_cast %slice3A_104 : vector<256x64xf32> to vector<1x256x64xf32>
    tpu.vector_store %arg5[%swap3A_105, %swap3A_106, %swap3A_107], %swap3A_110 {strides = array<i32>} : memref<36x256x64xf32, #tpu.memory_space<vmem>>, vector<1x256x64xf32>,
    %slice3A_111 = vector.extract_strided_slice %dot_general3A_42 {offsets = [0, 640], sizes = [256, 64], strides = [1, 1]} : vector<256x2304xf32> to vector<256x64xf32>
    %swap3A_112 = arith.constant 10 : index
    %swap3A_113 = arith.constant 0 : index
    %swap3A_114 = arith.constant 0 : index
    %swap3A_115 = vector.load %arg5[%swap3A_112, %swap3A_113, %swap3A_114] : memref<36x256x64xf32, #tpu.memory_space<vmem>>, vector<1x256x64xf32>
    %swap3A_116 = vector.shape_cast %swap3A_115 : vector<1x256x64xf32> to vector<256x64xf32>
    %swap3A_117 = vector.shape_cast %slice3A_111 : vector<256x64xf32> to vector<1x256x64xf32>
    tpu.vector_store %arg5[%swap3A_112, %swap3A_113, %swap3A_114], %swap3A_117 {strides = array<i32>} : memref<36x256x64xf32, #tpu.memory_space<vmem>>, vector<1x256x64xf32>,
    %slice3A_118 = vector.extract_strided_slice %dot_general3A_42 {offsets = [0, 704], sizes = [256, 64], strides = [1, 1]} : vector<256x2304xf32> to vector<256x64xf32>
    %swap3A_119 = arith.constant 11 : index
    %swap3A_120 = arith.constant 0 : index
    %swap3A_121 = arith.constant 0 : index
    %swap3A_122 = vector.load %arg5[%swap3A_119, %swap3A_120, %swap3A_121] : memref<36x256x64xf32, #tpu.memory_space<vmem>>, vector<1x256x64xf32>
    %swap3A_123 = vector.shape_cast %swap3A_122 : vector<1x256x64xf32> to vector<256x64xf32>
    %swap3A_124 = vector.shape_cast %slice3A_118 : vector<256x64xf32> to vector<1x256x64xf32>
    tpu.vector_store %arg5[%swap3A_119, %swap3A_120, %swap3A_121], %swap3A_124 {strides = array<i32>} : memref<36x256x64xf32, #tpu.memory_space<vmem>>, vector<1x256x64xf32>,
    %slice3A_125 = vector.extract_strided_slice %dot_general3A_42 {offsets = [0, 768], sizes = [256, 64], strides = [1, 1]} : vector<256x2304xf32> to vector<256x64xf32>
    %swap3A_126 = arith.constant 12 : index
    %swap3A_127 = arith.constant 0 : index
    %swap3A_128 = arith.constant 0 : index
    %swap3A_129 = vector.load %arg5[%swap3A_126, %swap3A_127, %swap3A_128] : memref<36x256x64xf32, #tpu.memory_space<vmem>>, vector<1x256x64xf32>
    %swap3A_130 = vector.shape_cast %swap3A_129 : vector<1x256x64xf32> to vector<256x64xf32>
    %swap3A_131 = vector.shape_cast %slice3A_125 : vector<256x64xf32> to vector<1x256x64xf32>
    tpu.vector_store %arg5[%swap3A_126, %swap3A_127, %swap3A_128], %swap3A_131 {strides = array<i32>} : memref<36x256x64xf32, #tpu.memory_space<vmem>>, vector<1x256x64xf32>,
    %slice3A_132 = vector.extract_strided_slice %dot_general3A_42 {offsets = [0, 832], sizes = [256, 64], strides = [1, 1]} : vector<256x2304xf32> to vector<256x64xf32>
    %swap3A_133 = arith.constant 13 : index
    %swap3A_134 = arith.constant 0 : index
    %swap3A_135 = arith.constant 0 : index
    %swap3A_136 = vector.load %arg5[%swap3A_133, %swap3A_134, %swap3A_135] : memref<36x256x64xf32, #tpu.memory_space<vmem>>, vector<1x256x64xf32>
    %swap3A_137 = vector.shape_cast %swap3A_136 : vector<1x256x64xf32> to vector<256x64xf32>
    %swap3A_138 = vector.shape_cast %slice3A_132 : vector<256x64xf32> to vector<1x256x64xf32>
    tpu.vector_store %arg5[%swap3A_133, %swap3A_134, %swap3A_135], %swap3A_138 {strides = array<i32>} : memref<36x256x64xf32, #tpu.memory_space<vmem>>, vector<1x256x64xf32>,
    %slice3A_139 = vector.extract_strided_slice %dot_general3A_42 {offsets = [0, 896], sizes = [256, 64], strides = [1, 1]} : vector<256x2304xf32> to vector<256x64xf32>
    %swap3A_140 = arith.constant 14 : index
    %swap3A_141 = arith.constant 0 : index
    %swap3A_142 = arith.constant 0 : index
    %swap3A_143 = vector.load %arg5[%swap3A_140, %swap3A_141, %swap3A_142] : memref<36x256x64xf32, #tpu.memory_space<vmem>>, vector<1x256x64xf32>
    %swap3A_144 = vector.shape_cast %swap3A_143 : vector<1x256x64xf32> to vector<256x64xf32>
    %swap3A_145 = vector.shape_cast %slice3A_139 : vector<256x64xf32> to vector<1x256x64xf32>
    tpu.vector_store %arg5[%swap3A_140, %swap3A_141, %swap3A_142], %swap3A_145 {strides = array<i32>} : memref<36x256x64xf32, #tpu.memory_space<vmem>>, vector<1x256x64xf32>,
    %slice3A_146 = vector.extract_strided_slice %dot_general3A_42 {offsets = [0, 960], sizes = [256, 64], strides = [1, 1]} : vector<256x2304xf32> to vector<256x64xf32>
    %swap3A_147 = arith.constant 15 : index
    %swap3A_148 = arith.constant 0 : index
    %swap3A_149 = arith.constant 0 : index
    %swap3A_150 = vector.load %arg5[%swap3A_147, %swap3A_148, %swap3A_149] : memref<36x256x64xf32, #tpu.memory_space<vmem>>, vector<1x256x64xf32>
    %swap3A_151 = vector.shape_cast %swap3A_150 : vector<1x256x64xf32> to vector<256x64xf32>
    %swap3A_152 = vector.shape_cast %slice3A_146 : vector<256x64xf32> to vector<1x256x64xf32>
    tpu.vector_store %arg5[%swap3A_147, %swap3A_148, %swap3A_149], %swap3A_152 {strides = array<i32>} : memref<36x256x64xf32, #tpu.memory_space<vmem>>, vector<1x256x64xf32>,
    %slice3A_153 = vector.extract_strided_slice %dot_general3A_42 {offsets = [0, 1024], sizes = [256, 64], strides = [1, 1]} : vector<256x2304xf32> to vector<256x64xf32>
    %swap3A_154 = arith.constant 16 : index
    %swap3A_155 = arith.constant 0 : index
    %swap3A_156 = arith.constant 0 : index
    %swap3A_157 = vector.load %arg5[%swap3A_154, %swap3A_155, %swap3A_156] : memref<36x256x64xf32, #tpu.memory_space<vmem>>, vector<1x256x64xf32>
    %swap3A_158 = vector.shape_cast %swap3A_157 : vector<1x256x64xf32> to vector<256x64xf32>
    %swap3A_159 = vector.shape_cast %slice3A_153 : vector<256x64xf32> to vector<1x256x64xf32>
    tpu.vector_store %arg5[%swap3A_154, %swap3A_155, %swap3A_156], %swap3A_159 {strides = array<i32>} : memref<36x256x64xf32, #tpu.memory_space<vmem>>, vector<1x256x64xf32>,
    %slice3A_160 = vector.extract_strided_slice %dot_general3A_42 {offsets = [0, 1088], sizes = [256, 64], strides = [1, 1]} : vector<256x2304xf32> to vector<256x64xf32>
    %swap3A_161 = arith.constant 17 : index
    %swap3A_162 = arith.constant 0 : index
    %swap3A_163 = arith.constant 0 : index
    %swap3A_164 = vector.load %arg5[%swap3A_161, %swap3A_162, %swap3A_163] : memref<36x256x64xf32, #tpu.memory_space<vmem>>, vector<1x256x64xf32>
    %swap3A_165 = vector.shape_cast %swap3A_164 : vector<1x256x64xf32> to vector<256x64xf32>
    %swap3A_166 = vector.shape_cast %slice3A_160 : vector<256x64xf32> to vector<1x256x64xf32>
    tpu.vector_store %arg5[%swap3A_161, %swap3A_162, %swap3A_163], %swap3A_166 {strides = array<i32>} : memref<36x256x64xf32, #tpu.memory_space<vmem>>, vector<1x256x64xf32>,
    %slice3A_167 = vector.extract_strided_slice %dot_general3A_42 {offsets = [0, 1152], sizes = [256, 64], strides = [1, 1]} : vector<256x2304xf32> to vector<256x64xf32>
    %swap3A_168 = arith.constant 18 : index
    %swap3A_169 = arith.constant 0 : index
    %swap3A_170 = arith.constant 0 : index
    %swap3A_171 = vector.load %arg5[%swap3A_168, %swap3A_169, %swap3A_170] : memref<36x256x64xf32, #tpu.memory_space<vmem>>, vector<1x256x64xf32>
    %swap3A_172 = vector.shape_cast %swap3A_171 : vector<1x256x64xf32> to vector<256x64xf32>
    %swap3A_173 = vector.shape_cast %slice3A_167 : vector<256x64xf32> to vector<1x256x64xf32>
    tpu.vector_store %arg5[%swap3A_168, %swap3A_169, %swap3A_170], %swap3A_173 {strides = array<i32>} : memref<36x256x64xf32, #tpu.memory_space<vmem>>, vector<1x256x64xf32>,
    %slice3A_174 = vector.extract_strided_slice %dot_general3A_42 {offsets = [0, 1216], sizes = [256, 64], strides = [1, 1]} : vector<256x2304xf32> to vector<256x64xf32>
    %swap3A_175 = arith.constant 19 : index
    %swap3A_176 = arith.constant 0 : index
    %swap3A_177 = arith.constant 0 : index
    %swap3A_178 = vector.load %arg5[%swap3A_175, %swap3A_176, %swap3A_177] : memref<36x256x64xf32, #tpu.memory_space<vmem>>, vector<1x256x64xf32>
    %swap3A_179 = vector.shape_cast %swap3A_178 : vector<1x256x64xf32> to vector<256x64xf32>
    %swap3A_180 = vector.shape_cast %slice3A_174 : vector<256x64xf32> to vector<1x256x64xf32>
    tpu.vector_store %arg5[%swap3A_175, %swap3A_176, %swap3A_177], %swap3A_180 {strides = array<i32>} : memref<36x256x64xf32, #tpu.memory_space<vmem>>, vector<1x256x64xf32>,
    %slice3A_181 = vector.extract_strided_slice %dot_general3A_42 {offsets = [0, 1280], sizes = [256, 64], strides = [1, 1]} : vector<256x2304xf32> to vector<256x64xf32>
    %swap3A_182 = arith.constant 20 : index
    %swap3A_183 = arith.constant 0 : index
    %swap3A_184 = arith.constant 0 : index
    %swap3A_185 = vector.load %arg5[%swap3A_182, %swap3A_183, %swap3A_184] : memref<36x256x64xf32, #tpu.memory_space<vmem>>, vector<1x256x64xf32>
    %swap3A_186 = vector.shape_cast %swap3A_185 : vector<1x256x64xf32> to vector<256x64xf32>
    %swap3A_187 = vector.shape_cast %slice3A_181 : vector<256x64xf32> to vector<1x256x64xf32>
    tpu.vector_store %arg5[%swap3A_182, %swap3A_183, %swap3A_184], %swap3A_187 {strides = array<i32>} : memref<36x256x64xf32, #tpu.memory_space<vmem>>, vector<1x256x64xf32>,
    %slice3A_188 = vector.extract_strided_slice %dot_general3A_42 {offsets = [0, 1344], sizes = [256, 64], strides = [1, 1]} : vector<256x2304xf32> to vector<256x64xf32>
    %swap3A_189 = arith.constant 21 : index
    %swap3A_190 = arith.constant 0 : index
    %swap3A_191 = arith.constant 0 : index
    %swap3A_192 = vector.load %arg5[%swap3A_189, %swap3A_190, %swap3A_191] : memref<36x256x64xf32, #tpu.memory_space<vmem>>, vector<1x256x64xf32>
    %swap3A_193 = vector.shape_cast %swap3A_192 : vector<1x256x64xf32> to vector<256x64xf32>
    %swap3A_194 = vector.shape_cast %slice3A_188 : vector<256x64xf32> to vector<1x256x64xf32>
    tpu.vector_store %arg5[%swap3A_189, %swap3A_190, %swap3A_191], %swap3A_194 {strides = array<i32>} : memref<36x256x64xf32, #tpu.memory_space<vmem>>, vector<1x256x64xf32>,
    %slice3A_195 = vector.extract_strided_slice %dot_general3A_42 {offsets = [0, 1408], sizes = [256, 64], strides = [1, 1]} : vector<256x2304xf32> to vector<256x64xf32>
    %swap3A_196 = arith.constant 22 : index
    %swap3A_197 = arith.constant 0 : index
    %swap3A_198 = arith.constant 0 : index
    %swap3A_199 = vector.load %arg5[%swap3A_196, %swap3A_197, %swap3A_198] : memref<36x256x64xf32, #tpu.memory_space<vmem>>, vector<1x256x64xf32>
    %swap3A_200 = vector.shape_cast %swap3A_199 : vector<1x256x64xf32> to vector<256x64xf32>
    %swap3A_201 = vector.shape_cast %slice3A_195 : vector<256x64xf32> to vector<1x256x64xf32>
    tpu.vector_store %arg5[%swap3A_196, %swap3A_197, %swap3A_198], %swap3A_201 {strides = array<i32>} : memref<36x256x64xf32, #tpu.memory_space<vmem>>, vector<1x256x64xf32>,
    %slice3A_202 = vector.extract_strided_slice %dot_general3A_42 {offsets = [0, 1472], sizes = [256, 64], strides = [1, 1]} : vector<256x2304xf32> to vector<256x64xf32>
    %swap3A_203 = arith.constant 23 : index
    %swap3A_204 = arith.constant 0 : index
    %swap3A_205 = arith.constant 0 : index
    %swap3A_206 = vector.load %arg5[%swap3A_203, %swap3A_204, %swap3A_205] : memref<36x256x64xf32, #tpu.memory_space<vmem>>, vector<1x256x64xf32>
    %swap3A_207 = vector.shape_cast %swap3A_206 : vector<1x256x64xf32> to vector<256x64xf32>
    %swap3A_208 = vector.shape_cast %slice3A_202 : vector<256x64xf32> to vector<1x256x64xf32>
    tpu.vector_store %arg5[%swap3A_203, %swap3A_204, %swap3A_205], %swap3A_208 {strides = array<i32>} : memref<36x256x64xf32, #tpu.memory_space<vmem>>, vector<1x256x64xf32>,
    %slice3A_209 = vector.extract_strided_slice %dot_general3A_42 {offsets = [0, 1536], sizes = [256, 64], strides = [1, 1]} : vector<256x2304xf32> to vector<256x64xf32>
    %swap3A_210 = arith.constant 24 : index
    %swap3A_211 = arith.constant 0 : index
    %swap3A_212 = arith.constant 0 : index
    %swap3A_213 = vector.load %arg5[%swap3A_210, %swap3A_211, %swap3A_212] : memref<36x256x64xf32, #tpu.memory_space<vmem>>, vector<1x256x64xf32>
    %swap3A_214 = vector.shape_cast %swap3A_213 : vector<1x256x64xf32> to vector<256x64xf32>
    %swap3A_215 = vector.shape_cast %slice3A_209 : vector<256x64xf32> to vector<1x256x64xf32>
    tpu.vector_store %arg5[%swap3A_210, %swap3A_211, %swap3A_212], %swap3A_215 {strides = array<i32>} : memref<36x256x64xf32, #tpu.memory_space<vmem>>, vector<1x256x64xf32>,
    %slice3A_216 = vector.extract_strided_slice %dot_general3A_42 {offsets = [0, 1600], sizes = [256, 64], strides = [1, 1]} : vector<256x2304xf32> to vector<256x64xf32>
    %swap3A_217 = arith.constant 25 : index
    %swap3A_218 = arith.constant 0 : index
    %swap3A_219 = arith.constant 0 : index
    %swap3A_220 = vector.load %arg5[%swap3A_217, %swap3A_218, %swap3A_219] : memref<36x256x64xf32, #tpu.memory_space<vmem>>, vector<1x256x64xf32>
    %swap3A_221 = vector.shape_cast %swap3A_220 : vector<1x256x64xf32> to vector<256x64xf32>
    %swap3A_222 = vector.shape_cast %slice3A_216 : vector<256x64xf32> to vector<1x256x64xf32>
    tpu.vector_store %arg5[%swap3A_217, %swap3A_218, %swap3A_219], %swap3A_222 {strides = array<i32>} : memref<36x256x64xf32, #tpu.memory_space<vmem>>, vector<1x256x64xf32>,
    %slice3A_223 = vector.extract_strided_slice %dot_general3A_42 {offsets = [0, 1664], sizes = [256, 64], strides = [1, 1]} : vector<256x2304xf32> to vector<256x64xf32>
    %swap3A_224 = arith.constant 26 : index
    %swap3A_225 = arith.constant 0 : index
    %swap3A_226 = arith.constant 0 : index
    %swap3A_227 = vector.load %arg5[%swap3A_224, %swap3A_225, %swap3A_226] : memref<36x256x64xf32, #tpu.memory_space<vmem>>, vector<1x256x64xf32>
    %swap3A_228 = vector.shape_cast %swap3A_227 : vector<1x256x64xf32> to vector<256x64xf32>
    %swap3A_229 = vector.shape_cast %slice3A_223 : vector<256x64xf32> to vector<1x256x64xf32>
    tpu.vector_store %arg5[%swap3A_224, %swap3A_225, %swap3A_226], %swap3A_229 {strides = array<i32>} : memref<36x256x64xf32, #tpu.memory_space<vmem>>, vector<1x256x64xf32>,
    %slice3A_230 = vector.extract_strided_slice %dot_general3A_42 {offsets = [0, 1728], sizes = [256, 64], strides = [1, 1]} : vector<256x2304xf32> to vector<256x64xf32>
    %swap3A_231 = arith.constant 27 : index
    %swap3A_232 = arith.constant 0 : index
    %swap3A_233 = arith.constant 0 : index
    %swap3A_234 = vector.load %arg5[%swap3A_231, %swap3A_232, %swap3A_233] : memref<36x256x64xf32, #tpu.memory_space<vmem>>, vector<1x256x64xf32>
    %swap3A_235 = vector.shape_cast %swap3A_234 : vector<1x256x64xf32> to vector<256x64xf32>
    %swap3A_236 = vector.shape_cast %slice3A_230 : vector<256x64xf32> to vector<1x256x64xf32>
    tpu.vector_store %arg5[%swap3A_231, %swap3A_232, %swap3A_233], %swap3A_236 {strides = array<i32>} : memref<36x256x64xf32, #tpu.memory_space<vmem>>, vector<1x256x64xf32>,
    %slice3A_237 = vector.extract_strided_slice %dot_general3A_42 {offsets = [0, 1792], sizes = [256, 64], strides = [1, 1]} : vector<256x2304xf32> to vector<256x64xf32>
    %swap3A_238 = arith.constant 28 : index
    %swap3A_239 = arith.constant 0 : index
    %swap3A_240 = arith.constant 0 : index
    %swap3A_241 = vector.load %arg5[%swap3A_238, %swap3A_239, %swap3A_240] : memref<36x256x64xf32, #tpu.memory_space<vmem>>, vector<1x256x64xf32>
    %swap3A_242 = vector.shape_cast %swap3A_241 : vector<1x256x64xf32> to vector<256x64xf32>
    %swap3A_243 = vector.shape_cast %slice3A_237 : vector<256x64xf32> to vector<1x256x64xf32>
    tpu.vector_store %arg5[%swap3A_238, %swap3A_239, %swap3A_240], %swap3A_243 {strides = array<i32>} : memref<36x256x64xf32, #tpu.memory_space<vmem>>, vector<1x256x64xf32>,
    %slice3A_244 = vector.extract_strided_slice %dot_general3A_42 {offsets = [0, 1856], sizes = [256, 64], strides = [1, 1]} : vector<256x2304xf32> to vector<256x64xf32>
    %swap3A_245 = arith.constant 29 : index
    %swap3A_246 = arith.constant 0 : index
    %swap3A_247 = arith.constant 0 : index
    %swap3A_248 = vector.load %arg5[%swap3A_245, %swap3A_246, %swap3A_247] : memref<36x256x64xf32, #tpu.memory_space<vmem>>, vector<1x256x64xf32>
    %swap3A_249 = vector.shape_cast %swap3A_248 : vector<1x256x64xf32> to vector<256x64xf32>
    %swap3A_250 = vector.shape_cast %slice3A_244 : vector<256x64xf32> to vector<1x256x64xf32>
    tpu.vector_store %arg5[%swap3A_245, %swap3A_246, %swap3A_247], %swap3A_250 {strides = array<i32>} : memref<36x256x64xf32, #tpu.memory_space<vmem>>, vector<1x256x64xf32>,
    %slice3A_251 = vector.extract_strided_slice %dot_general3A_42 {offsets = [0, 1920], sizes = [256, 64], strides = [1, 1]} : vector<256x2304xf32> to vector<256x64xf32>
    %swap3A_252 = arith.constant 30 : index
    %swap3A_253 = arith.constant 0 : index
    %swap3A_254 = arith.constant 0 : index
    %swap3A_255 = vector.load %arg5[%swap3A_252, %swap3A_253, %swap3A_254] : memref<36x256x64xf32, #tpu.memory_space<vmem>>, vector<1x256x64xf32>
    %swap3A_256 = vector.shape_cast %swap3A_255 : vector<1x256x64xf32> to vector<256x64xf32>
    %swap3A_257 = vector.shape_cast %slice3A_251 : vector<256x64xf32> to vector<1x256x64xf32>
    tpu.vector_store %arg5[%swap3A_252, %swap3A_253, %swap3A_254], %swap3A_257 {strides = array<i32>} : memref<36x256x64xf32, #tpu.memory_space<vmem>>, vector<1x256x64xf32>,
    %slice3A_258 = vector.extract_strided_slice %dot_general3A_42 {offsets = [0, 1984], sizes = [256, 64], strides = [1, 1]} : vector<256x2304xf32> to vector<256x64xf32>
    %swap3A_259 = arith.constant 31 : index
    %swap3A_260 = arith.constant 0 : index
    %swap3A_261 = arith.constant 0 : index
    %swap3A_262 = vector.load %arg5[%swap3A_259, %swap3A_260, %swap3A_261] : memref<36x256x64xf32, #tpu.memory_space<vmem>>, vector<1x256x64xf32>
    %swap3A_263 = vector.shape_cast %swap3A_262 : vector<1x256x64xf32> to vector<256x64xf32>
    %swap3A_264 = vector.shape_cast %slice3A_258 : vector<256x64xf32> to vector<1x256x64xf32>
    tpu.vector_store %arg5[%swap3A_259, %swap3A_260, %swap3A_261], %swap3A_264 {strides = array<i32>} : memref<36x256x64xf32, #tpu.memory_space<vmem>>, vector<1x256x64xf32>,
    %slice3A_265 = vector.extract_strided_slice %dot_general3A_42 {offsets = [0, 2048], sizes = [256, 64], strides = [1, 1]} : vector<256x2304xf32> to vector<256x64xf32>
    %swap3A_266 = arith.constant 32 : index
    %swap3A_267 = arith.constant 0 : index
    %swap3A_268 = arith.constant 0 : index
    %swap3A_269 = vector.load %arg5[%swap3A_266, %swap3A_267, %swap3A_268] : memref<36x256x64xf32, #tpu.memory_space<vmem>>, vector<1x256x64xf32>
    %swap3A_270 = vector.shape_cast %swap3A_269 : vector<1x256x64xf32> to vector<256x64xf32>
    %swap3A_271 = vector.shape_cast %slice3A_265 : vector<256x64xf32> to vector<1x256x64xf32>
    tpu.vector_store %arg5[%swap3A_266, %swap3A_267, %swap3A_268], %swap3A_271 {strides = array<i32>} : memref<36x256x64xf32, #tpu.memory_space<vmem>>, vector<1x256x64xf32>,
    %slice3A_272 = vector.extract_strided_slice %dot_general3A_42 {offsets = [0, 2112], sizes = [256, 64], strides = [1, 1]} : vector<256x2304xf32> to vector<256x64xf32>
    %swap3A_273 = arith.constant 33 : index
    %swap3A_274 = arith.constant 0 : index
    %swap3A_275 = arith.constant 0 : index
    %swap3A_276 = vector.load %arg5[%swap3A_273, %swap3A_274, %swap3A_275] : memref<36x256x64xf32, #tpu.memory_space<vmem>>, vector<1x256x64xf32>
    %swap3A_277 = vector.shape_cast %swap3A_276 : vector<1x256x64xf32> to vector<256x64xf32>
    %swap3A_278 = vector.shape_cast %slice3A_272 : vector<256x64xf32> to vector<1x256x64xf32>
    tpu.vector_store %arg5[%swap3A_273, %swap3A_274, %swap3A_275], %swap3A_278 {strides = array<i32>} : memref<36x256x64xf32, #tpu.memory_space<vmem>>, vector<1x256x64xf32>,
    %slice3A_279 = vector.extract_strided_slice %dot_general3A_42 {offsets = [0, 2176], sizes = [256, 64], strides = [1, 1]} : vector<256x2304xf32> to vector<256x64xf32>
    %swap3A_280 = arith.constant 34 : index
    %swap3A_281 = arith.constant 0 : index
    %swap3A_282 = arith.constant 0 : index
    %swap3A_283 = vector.load %arg5[%swap3A_280, %swap3A_281, %swap3A_282] : memref<36x256x64xf32, #tpu.memory_space<vmem>>, vector<1x256x64xf32>
    %swap3A_284 = vector.shape_cast %swap3A_283 : vector<1x256x64xf32> to vector<256x64xf32>
    %swap3A_285 = vector.shape_cast %slice3A_279 : vector<256x64xf32> to vector<1x256x64xf32>
    tpu.vector_store %arg5[%swap3A_280, %swap3A_281, %swap3A_282], %swap3A_285 {strides = array<i32>} : memref<36x256x64xf32, #tpu.memory_space<vmem>>, vector<1x256x64xf32>,
    %slice3A_286 = vector.extract_strided_slice %dot_general3A_42 {offsets = [0, 2240], sizes = [256, 64], strides = [1, 1]} : vector<256x2304xf32> to vector<256x64xf32>
    %swap3A_287 = arith.constant 35 : index
    %swap3A_288 = arith.constant 0 : index
    %swap3A_289 = arith.constant 0 : index
    %swap3A_290 = vector.load %arg5[%swap3A_287, %swap3A_288, %swap3A_289] : memref<36x256x64xf32, #tpu.memory_space<vmem>>, vector<1x256x64xf32>
    %swap3A_291 = vector.shape_cast %swap3A_290 : vector<1x256x64xf32> to vector<256x64xf32>
    %swap3A_292 = vector.shape_cast %slice3A_286 : vector<256x64xf32> to vector<1x256x64xf32>
    tpu.vector_store %arg5[%swap3A_287, %swap3A_288, %swap3A_289], %swap3A_292 {strides = array<i32>} : memref<36x256x64xf32, #tpu.memory_space<vmem>>, vector<1x256x64xf32>,
    return
  }
  func.func @transform_0(%arg0: i32) -> (i32, i32) {
    %c0_i32 = arith.constant 0 : i32
    %c0_i32_0 = arith.constant 0 : i32
    return %arg0, %c0_i32 : i32, i32
  }
  func.func @transform_1(%arg0: i32) -> (i32, i32) {
    %c0_i32 = arith.constant 0 : i32
    %c0_i32_0 = arith.constant 0 : i32
    %c0_i32_1 = arith.constant 0 : i32
    return %c0_i32, %c0_i32_0 : i32, i32
  }
  func.func @transform_2(%arg0: i32) -> (i32, i32) {
    %c0_i32 = arith.constant 0 : i32
    %c0_i32_0 = arith.constant 0 : i32
    %c0_i32_1 = arith.constant 0 : i32
    return %c0_i32, %c0_i32_0 : i32, i32
  }
  func.func @transform_3(%arg0: i32) -> (i32, i32) {
    %c0_i32 = arith.constant 0 : i32
    %c0_i32_0 = arith.constant 0 : i32
    %c0_i32_1 = arith.constant 0 : i32
    return %c0_i32, %c0_i32_0 : i32, i32
  }
  func.func @transform_4(%arg0: i32) -> (i32, i32, i32) {
    %c0_i32 = arith.constant 0 : i32
    %c0_i32_0 = arith.constant 0 : i32
    %c0_i32_1 = arith.constant 0 : i32
    return %c0_i32, %arg0, %c0_i32_0 : i32, i32, i32
  }
}

module attributes {stable_mosaic.version = 14 : i64} {
  func.func @_router_body(%arg0: memref<12x1024x64xf32, #tpu.memory_space<vmem>>, %arg1: memref<12x1024x64xf32, #tpu.memory_space<vmem>>, %arg2: memref<768x768xf32, #tpu.memory_space<vmem>>, %arg3: memref<2048x768xf32, #tpu.memory_space<vmem>>, %arg4: memref<1x768xf32, #tpu.memory_space<vmem>>, %arg5: memref<1x768xf32, #tpu.memory_space<vmem>>, %arg6: memref<64x768xf32, #tpu.memory_space<vmem>>, %arg7: memref<2048x768xf32, #tpu.memory_space<vmem>>, %arg8: memref<2048x768xf32, #tpu.memory_space<vmem>>, %arg9: memref<4096x1xi32, #tpu.memory_space<vmem>>, %arg10: memref<4096x1xi32, #tpu.memory_space<vmem>>, %arg11: memref<2048x1xf32, #tpu.memory_space<vmem>>, %arg12: memref<2048x1xf32, #tpu.memory_space<vmem>>, %arg13: memref<1x1xf32, #tpu.memory_space<vmem>>) attributes {dimension_semantics = [], scalar_prefetch = 0 : i64, scratch_operands = 0 : i64, tpu.core_type = #tpu.core_type<tc>} {
    %get3A = arith.constant 0 : index
    %get3A_0 = arith.constant 0 : index
    %get3A_1 = arith.constant 0 : index
    %get3A_2 = vector.load %arg0[%get3A, %get3A_0, %get3A_1] : memref<12x1024x64xf32, #tpu.memory_space<vmem>>, vector<1x1024x64xf32>
    %get3A_3 = vector.shape_cast %get3A_2 : vector<1x1024x64xf32> to vector<1024x64xf32>
    %get3A_4 = arith.constant 0 : index
    %get3A_5 = arith.constant 0 : index
    %get3A_6 = arith.constant 0 : index
    %get3A_7 = vector.load %arg1[%get3A_4, %get3A_5, %get3A_6] : memref<12x1024x64xf32, #tpu.memory_space<vmem>>, vector<1x1024x64xf32>
    %get3A_8 = vector.shape_cast %get3A_7 : vector<1x1024x64xf32> to vector<1024x64xf32>
    %concatenate3A = tpu.concatenate %get3A_3, %get3A_8 in 0 : vector<1024x64xf32>, vector<1024x64xf32> -> vector<2048x64xf32>
    %get3A_9 = arith.constant 1 : index
    %get3A_10 = arith.constant 0 : index
    %get3A_11 = arith.constant 0 : index
    %get3A_12 = vector.load %arg0[%get3A_9, %get3A_10, %get3A_11] : memref<12x1024x64xf32, #tpu.memory_space<vmem>>, vector<1x1024x64xf32>
    %get3A_13 = vector.shape_cast %get3A_12 : vector<1x1024x64xf32> to vector<1024x64xf32>
    %get3A_14 = arith.constant 1 : index
    %get3A_15 = arith.constant 0 : index
    %get3A_16 = arith.constant 0 : index
    %get3A_17 = vector.load %arg1[%get3A_14, %get3A_15, %get3A_16] : memref<12x1024x64xf32, #tpu.memory_space<vmem>>, vector<1x1024x64xf32>
    %get3A_18 = vector.shape_cast %get3A_17 : vector<1x1024x64xf32> to vector<1024x64xf32>
    %concatenate3A_19 = tpu.concatenate %get3A_13, %get3A_18 in 0 : vector<1024x64xf32>, vector<1024x64xf32> -> vector<2048x64xf32>
    %get3A_20 = arith.constant 2 : index
    %get3A_21 = arith.constant 0 : index
    %get3A_22 = arith.constant 0 : index
    %get3A_23 = vector.load %arg0[%get3A_20, %get3A_21, %get3A_22] : memref<12x1024x64xf32, #tpu.memory_space<vmem>>, vector<1x1024x64xf32>
    %get3A_24 = vector.shape_cast %get3A_23 : vector<1x1024x64xf32> to vector<1024x64xf32>
    %get3A_25 = arith.constant 2 : index
    %get3A_26 = arith.constant 0 : index
    %get3A_27 = arith.constant 0 : index
    %get3A_28 = vector.load %arg1[%get3A_25, %get3A_26, %get3A_27] : memref<12x1024x64xf32, #tpu.memory_space<vmem>>, vector<1x1024x64xf32>
    %get3A_29 = vector.shape_cast %get3A_28 : vector<1x1024x64xf32> to vector<1024x64xf32>
    %concatenate3A_30 = tpu.concatenate %get3A_24, %get3A_29 in 0 : vector<1024x64xf32>, vector<1024x64xf32> -> vector<2048x64xf32>
    %get3A_31 = arith.constant 3 : index
    %get3A_32 = arith.constant 0 : index
    %get3A_33 = arith.constant 0 : index
    %get3A_34 = vector.load %arg0[%get3A_31, %get3A_32, %get3A_33] : memref<12x1024x64xf32, #tpu.memory_space<vmem>>, vector<1x1024x64xf32>
    %get3A_35 = vector.shape_cast %get3A_34 : vector<1x1024x64xf32> to vector<1024x64xf32>
    %get3A_36 = arith.constant 3 : index
    %get3A_37 = arith.constant 0 : index
    %get3A_38 = arith.constant 0 : index
    %get3A_39 = vector.load %arg1[%get3A_36, %get3A_37, %get3A_38] : memref<12x1024x64xf32, #tpu.memory_space<vmem>>, vector<1x1024x64xf32>
    %get3A_40 = vector.shape_cast %get3A_39 : vector<1x1024x64xf32> to vector<1024x64xf32>
    %concatenate3A_41 = tpu.concatenate %get3A_35, %get3A_40 in 0 : vector<1024x64xf32>, vector<1024x64xf32> -> vector<2048x64xf32>
    %get3A_42 = arith.constant 4 : index
    %get3A_43 = arith.constant 0 : index
    %get3A_44 = arith.constant 0 : index
    %get3A_45 = vector.load %arg0[%get3A_42, %get3A_43, %get3A_44] : memref<12x1024x64xf32, #tpu.memory_space<vmem>>, vector<1x1024x64xf32>
    %get3A_46 = vector.shape_cast %get3A_45 : vector<1x1024x64xf32> to vector<1024x64xf32>
    %get3A_47 = arith.constant 4 : index
    %get3A_48 = arith.constant 0 : index
    %get3A_49 = arith.constant 0 : index
    %get3A_50 = vector.load %arg1[%get3A_47, %get3A_48, %get3A_49] : memref<12x1024x64xf32, #tpu.memory_space<vmem>>, vector<1x1024x64xf32>
    %get3A_51 = vector.shape_cast %get3A_50 : vector<1x1024x64xf32> to vector<1024x64xf32>
    %concatenate3A_52 = tpu.concatenate %get3A_46, %get3A_51 in 0 : vector<1024x64xf32>, vector<1024x64xf32> -> vector<2048x64xf32>
    %get3A_53 = arith.constant 5 : index
    %get3A_54 = arith.constant 0 : index
    %get3A_55 = arith.constant 0 : index
    %get3A_56 = vector.load %arg0[%get3A_53, %get3A_54, %get3A_55] : memref<12x1024x64xf32, #tpu.memory_space<vmem>>, vector<1x1024x64xf32>
    %get3A_57 = vector.shape_cast %get3A_56 : vector<1x1024x64xf32> to vector<1024x64xf32>
    %get3A_58 = arith.constant 5 : index
    %get3A_59 = arith.constant 0 : index
    %get3A_60 = arith.constant 0 : index
    %get3A_61 = vector.load %arg1[%get3A_58, %get3A_59, %get3A_60] : memref<12x1024x64xf32, #tpu.memory_space<vmem>>, vector<1x1024x64xf32>
    %get3A_62 = vector.shape_cast %get3A_61 : vector<1x1024x64xf32> to vector<1024x64xf32>
    %concatenate3A_63 = tpu.concatenate %get3A_57, %get3A_62 in 0 : vector<1024x64xf32>, vector<1024x64xf32> -> vector<2048x64xf32>
    %get3A_64 = arith.constant 6 : index
    %get3A_65 = arith.constant 0 : index
    %get3A_66 = arith.constant 0 : index
    %get3A_67 = vector.load %arg0[%get3A_64, %get3A_65, %get3A_66] : memref<12x1024x64xf32, #tpu.memory_space<vmem>>, vector<1x1024x64xf32>
    %get3A_68 = vector.shape_cast %get3A_67 : vector<1x1024x64xf32> to vector<1024x64xf32>
    %get3A_69 = arith.constant 6 : index
    %get3A_70 = arith.constant 0 : index
    %get3A_71 = arith.constant 0 : index
    %get3A_72 = vector.load %arg1[%get3A_69, %get3A_70, %get3A_71] : memref<12x1024x64xf32, #tpu.memory_space<vmem>>, vector<1x1024x64xf32>
    %get3A_73 = vector.shape_cast %get3A_72 : vector<1x1024x64xf32> to vector<1024x64xf32>
    %concatenate3A_74 = tpu.concatenate %get3A_68, %get3A_73 in 0 : vector<1024x64xf32>, vector<1024x64xf32> -> vector<2048x64xf32>
    %get3A_75 = arith.constant 7 : index
    %get3A_76 = arith.constant 0 : index
    %get3A_77 = arith.constant 0 : index
    %get3A_78 = vector.load %arg0[%get3A_75, %get3A_76, %get3A_77] : memref<12x1024x64xf32, #tpu.memory_space<vmem>>, vector<1x1024x64xf32>
    %get3A_79 = vector.shape_cast %get3A_78 : vector<1x1024x64xf32> to vector<1024x64xf32>
    %get3A_80 = arith.constant 7 : index
    %get3A_81 = arith.constant 0 : index
    %get3A_82 = arith.constant 0 : index
    %get3A_83 = vector.load %arg1[%get3A_80, %get3A_81, %get3A_82] : memref<12x1024x64xf32, #tpu.memory_space<vmem>>, vector<1x1024x64xf32>
    %get3A_84 = vector.shape_cast %get3A_83 : vector<1x1024x64xf32> to vector<1024x64xf32>
    %concatenate3A_85 = tpu.concatenate %get3A_79, %get3A_84 in 0 : vector<1024x64xf32>, vector<1024x64xf32> -> vector<2048x64xf32>
    %get3A_86 = arith.constant 8 : index
    %get3A_87 = arith.constant 0 : index
    %get3A_88 = arith.constant 0 : index
    %get3A_89 = vector.load %arg0[%get3A_86, %get3A_87, %get3A_88] : memref<12x1024x64xf32, #tpu.memory_space<vmem>>, vector<1x1024x64xf32>
    %get3A_90 = vector.shape_cast %get3A_89 : vector<1x1024x64xf32> to vector<1024x64xf32>
    %get3A_91 = arith.constant 8 : index
    %get3A_92 = arith.constant 0 : index
    %get3A_93 = arith.constant 0 : index
    %get3A_94 = vector.load %arg1[%get3A_91, %get3A_92, %get3A_93] : memref<12x1024x64xf32, #tpu.memory_space<vmem>>, vector<1x1024x64xf32>
    %get3A_95 = vector.shape_cast %get3A_94 : vector<1x1024x64xf32> to vector<1024x64xf32>
    %concatenate3A_96 = tpu.concatenate %get3A_90, %get3A_95 in 0 : vector<1024x64xf32>, vector<1024x64xf32> -> vector<2048x64xf32>
    %get3A_97 = arith.constant 9 : index
    %get3A_98 = arith.constant 0 : index
    %get3A_99 = arith.constant 0 : index
    %get3A_100 = vector.load %arg0[%get3A_97, %get3A_98, %get3A_99] : memref<12x1024x64xf32, #tpu.memory_space<vmem>>, vector<1x1024x64xf32>
    %get3A_101 = vector.shape_cast %get3A_100 : vector<1x1024x64xf32> to vector<1024x64xf32>
    %get3A_102 = arith.constant 9 : index
    %get3A_103 = arith.constant 0 : index
    %get3A_104 = arith.constant 0 : index
    %get3A_105 = vector.load %arg1[%get3A_102, %get3A_103, %get3A_104] : memref<12x1024x64xf32, #tpu.memory_space<vmem>>, vector<1x1024x64xf32>
    %get3A_106 = vector.shape_cast %get3A_105 : vector<1x1024x64xf32> to vector<1024x64xf32>
    %concatenate3A_107 = tpu.concatenate %get3A_101, %get3A_106 in 0 : vector<1024x64xf32>, vector<1024x64xf32> -> vector<2048x64xf32>
    %get3A_108 = arith.constant 10 : index
    %get3A_109 = arith.constant 0 : index
    %get3A_110 = arith.constant 0 : index
    %get3A_111 = vector.load %arg0[%get3A_108, %get3A_109, %get3A_110] : memref<12x1024x64xf32, #tpu.memory_space<vmem>>, vector<1x1024x64xf32>
    %get3A_112 = vector.shape_cast %get3A_111 : vector<1x1024x64xf32> to vector<1024x64xf32>
    %get3A_113 = arith.constant 10 : index
    %get3A_114 = arith.constant 0 : index
    %get3A_115 = arith.constant 0 : index
    %get3A_116 = vector.load %arg1[%get3A_113, %get3A_114, %get3A_115] : memref<12x1024x64xf32, #tpu.memory_space<vmem>>, vector<1x1024x64xf32>
    %get3A_117 = vector.shape_cast %get3A_116 : vector<1x1024x64xf32> to vector<1024x64xf32>
    %concatenate3A_118 = tpu.concatenate %get3A_112, %get3A_117 in 0 : vector<1024x64xf32>, vector<1024x64xf32> -> vector<2048x64xf32>
    %get3A_119 = arith.constant 11 : index
    %get3A_120 = arith.constant 0 : index
    %get3A_121 = arith.constant 0 : index
    %get3A_122 = vector.load %arg0[%get3A_119, %get3A_120, %get3A_121] : memref<12x1024x64xf32, #tpu.memory_space<vmem>>, vector<1x1024x64xf32>
    %get3A_123 = vector.shape_cast %get3A_122 : vector<1x1024x64xf32> to vector<1024x64xf32>
    %get3A_124 = arith.constant 11 : index
    %get3A_125 = arith.constant 0 : index
    %get3A_126 = arith.constant 0 : index
    %get3A_127 = vector.load %arg1[%get3A_124, %get3A_125, %get3A_126] : memref<12x1024x64xf32, #tpu.memory_space<vmem>>, vector<1x1024x64xf32>
    %get3A_128 = vector.shape_cast %get3A_127 : vector<1x1024x64xf32> to vector<1024x64xf32>
    %concatenate3A_129 = tpu.concatenate %get3A_123, %get3A_128 in 0 : vector<1024x64xf32>, vector<1024x64xf32> -> vector<2048x64xf32>
    %concatenate3A_130 = tpu.concatenate %concatenate3A, %concatenate3A_19, %concatenate3A_30, %concatenate3A_41, %concatenate3A_52, %concatenate3A_63, %concatenate3A_74, %concatenate3A_85, %concatenate3A_96, %concatenate3A_107, %concatenate3A_118, %concatenate3A_129 in 1 : vector<2048x64xf32>, vector<2048x64xf32>, vector<2048x64xf32>, vector<2048x64xf32>, vector<2048x64xf32>, vector<2048x64xf32>, vector<2048x64xf32>, vector<2048x64xf32>, vector<2048x64xf32>, vector<2048x64xf32>, vector<2048x64xf32>, vector<2048x64xf32> -> vector<2048x768xf32>
    %get3A_131 = arith.constant 0 : index
    %get3A_132 = arith.constant 0 : index
    %get3A_133 = vector.load %arg3[%get3A_131, %get3A_132] : memref<2048x768xf32, #tpu.memory_space<vmem>>, vector<2048x768xf32>
    %get3A_134 = arith.constant 0 : index
    %get3A_135 = arith.constant 0 : index
    %get3A_136 = vector.load %arg2[%get3A_134, %get3A_135] : memref<768x768xf32, #tpu.memory_space<vmem>>, vector<768x768xf32>
    %convert_element_type3A = arith.truncf %concatenate3A_130 : vector<2048x768xf32> to vector<2048x768xbf16>
    %convert_element_type3A_137 = arith.truncf %get3A_136 : vector<768x768xf32> to vector<768x768xbf16>
    %dot_general3A = arith.constant dense<0.000000e+00> : vector<2048x768xf32>
    %dot_general3A_138 = tpu.matmul %convert_element_type3A, %convert_element_type3A_137, %dot_general3A {dimension_numbers = #tpu.dot_dimension_numbers<[1], [1], [0], [0], [0, 0, 1, 0], [], []>, transpose_lhs_hint = false} : vector<2048x768xbf16>, vector<768x768xbf16>, vector<2048x768xf32> -> vector<2048x768xf32>
    %add3A = arith.addf %get3A_133, %dot_general3A_138 : vector<2048x768xf32>
    %swap3A = arith.constant 0 : index
    %swap3A_139 = arith.constant 0 : index
    %swap3A_140 = vector.load %arg7[%swap3A, %swap3A_139] : memref<2048x768xf32, #tpu.memory_space<vmem>>, vector<2048x768xf32>
    tpu.vector_store %arg7[%swap3A, %swap3A_139], %add3A {strides = array<i32>} : memref<2048x768xf32, #tpu.memory_space<vmem>>, vector<2048x768xf32>,
    %get3A_141 = arith.constant 0 : index
    %get3A_142 = arith.constant 0 : index
    %get3A_143 = vector.load %arg4[%get3A_141, %get3A_142] : memref<1x768xf32, #tpu.memory_space<vmem>>, vector<1x768xf32>
    %get3A_144 = arith.constant 0 : index
    %get3A_145 = arith.constant 0 : index
    %get3A_146 = vector.load %arg5[%get3A_144, %get3A_145] : memref<1x768xf32, #tpu.memory_space<vmem>>, vector<1x768xf32>
    %reduce_sum3A = arith.constant dense<0.000000e+00> : vector<2048xf32>
    %reduce_sum3A_147 = vector.multi_reduction <add>, %add3A, %reduce_sum3A [1] : vector<2048x768xf32> to vector<2048xf32>
    %broadcast_in_dim3A = vector.shape_cast %reduce_sum3A_147 : vector<2048xf32> to vector<2048x1xf32>
    %div3A = arith.constant 7.680000e+02 : f32
    %div3A_148 = vector.broadcast %div3A : f32 to vector<2048x1xf32>
    %div3A_149 = arith.divf %broadcast_in_dim3A, %div3A_148 : vector<2048x1xf32>
    %jit3A = arith.constant 0 : i32
    %reduce_sum3A_150 = arith.constant dense<0.000000e+00> : vector<2048xf32>
    %reduce_sum3A_151 = vector.multi_reduction <add>, %add3A, %reduce_sum3A_150 [1] : vector<2048x768xf32> to vector<2048xf32>
    %broadcast_in_dim3A_152 = vector.shape_cast %reduce_sum3A_151 : vector<2048xf32> to vector<2048x1xf32>
    %div3A_153 = arith.constant 7.680000e+02 : f32
    %div3A_154 = vector.broadcast %div3A_153 : f32 to vector<2048x1xf32>
    %div3A_155 = arith.divf %broadcast_in_dim3A_152, %div3A_154 : vector<2048x1xf32>
    %sub3A = vector.broadcast %div3A_155 : vector<2048x1xf32> to vector<2048x768xf32>
    %sub3A_156 = arith.subf %add3A, %sub3A : vector<2048x768xf32>
    %square3A = arith.mulf %sub3A_156, %sub3A_156 : vector<2048x768xf32>
    %convert_element_type3A_157 = arith.sitofp %jit3A : i32 to f32
    %sub3A_158 = arith.constant 7.680000e+02 : f32
    %sub3A_159 = arith.subf %sub3A_158, %convert_element_type3A_157 : f32
    %reduce_sum3A_160 = arith.constant dense<0.000000e+00> : vector<2048xf32>
    %reduce_sum3A_161 = vector.multi_reduction <add>, %square3A, %reduce_sum3A_160 [1] : vector<2048x768xf32> to vector<2048xf32>
    %broadcast_in_dim3A_162 = vector.shape_cast %reduce_sum3A_161 : vector<2048xf32> to vector<2048x1xf32>
    %div3A_163 = vector.broadcast %sub3A_159 : f32 to vector<2048x1xf32>
    %div3A_164 = arith.divf %broadcast_in_dim3A_162, %div3A_163 : vector<2048x1xf32>
    %gt3A = arith.constant 0.000000e+00 : f32
    %gt3A_165 = arith.cmpf ogt, %sub3A_159, %gt3A : f32
    %jit3A_166 = arith.constant 0x7FC00000 : f32
    %broadcast_in_dim3A_167 = vector.broadcast %jit3A_166 : f32 to vector<2048x1xf32>
    %select_n3A = arith.select %gt3A_165, %div3A_164, %broadcast_in_dim3A_167 : vector<2048x1xf32>
    %sub3A_168 = vector.broadcast %div3A_149 : vector<2048x1xf32> to vector<2048x768xf32>
    %sub3A_169 = arith.subf %add3A, %sub3A_168 : vector<2048x768xf32>
    %add3A_170 = arith.constant 9.99999974E-6 : f32
    %add3A_171 = vector.broadcast %add3A_170 : f32 to vector<2048x1xf32>
    %add3A_172 = arith.addf %select_n3A, %add3A_171 : vector<2048x1xf32>
    %sqrt3A = math.sqrt %add3A_172 : vector<2048x1xf32>
    %div3A_173 = vector.broadcast %sqrt3A : vector<2048x1xf32> to vector<2048x768xf32>
    %div3A_174 = arith.divf %sub3A_169, %div3A_173 : vector<2048x768xf32>
    %mul3A = vector.broadcast %get3A_143 : vector<1x768xf32> to vector<2048x768xf32>
    %mul3A_175 = arith.mulf %div3A_174, %mul3A : vector<2048x768xf32>
    %add3A_176 = vector.broadcast %get3A_146 : vector<1x768xf32> to vector<2048x768xf32>
    %add3A_177 = arith.addf %mul3A_175, %add3A_176 : vector<2048x768xf32>
    %swap3A_178 = arith.constant 0 : index
    %swap3A_179 = arith.constant 0 : index
    %swap3A_180 = vector.load %arg8[%swap3A_178, %swap3A_179] : memref<2048x768xf32, #tpu.memory_space<vmem>>, vector<2048x768xf32>
    tpu.vector_store %arg8[%swap3A_178, %swap3A_179], %add3A_177 {strides = array<i32>} : memref<2048x768xf32, #tpu.memory_space<vmem>>, vector<2048x768xf32>,
    %get3A_181 = arith.constant 0 : index
    %get3A_182 = arith.constant 0 : index
    %get3A_183 = vector.load %arg6[%get3A_181, %get3A_182] : memref<64x768xf32, #tpu.memory_space<vmem>>, vector<64x768xf32>
    %convert_element_type3A_184 = arith.truncf %add3A_177 : vector<2048x768xf32> to vector<2048x768xbf16>
    %convert_element_type3A_185 = arith.truncf %get3A_183 : vector<64x768xf32> to vector<64x768xbf16>
    %dot_general3A_186 = arith.constant dense<0.000000e+00> : vector<2048x64xf32>
    %dot_general3A_187 = tpu.matmul %convert_element_type3A_184, %convert_element_type3A_185, %dot_general3A_186 {dimension_numbers = #tpu.dot_dimension_numbers<[1], [1], [0], [0], [0, 0, 1, 0], [], []>, transpose_lhs_hint = false} : vector<2048x768xbf16>, vector<64x768xbf16>, vector<2048x64xf32> -> vector<2048x64xf32>
    %reduce_max3A = arith.constant dense<0xFF800000> : vector<2048xf32>
    %reduce_max3A_188 = vector.multi_reduction <maximumf>, %dot_general3A_187, %reduce_max3A [1] : vector<2048x64xf32> to vector<2048xf32>
    %broadcast_in_dim3A_189 = vector.shape_cast %reduce_max3A_188 : vector<2048xf32> to vector<2048x1xf32>
    %sub3A_190 = vector.broadcast %broadcast_in_dim3A_189 : vector<2048x1xf32> to vector<2048x64xf32>
    %sub3A_191 = arith.subf %dot_general3A_187, %sub3A_190 : vector<2048x64xf32>
    %exp3A = math.exp %sub3A_191 : vector<2048x64xf32>
    %reduce_sum3A_192 = arith.constant dense<0.000000e+00> : vector<2048xf32>
    %reduce_sum3A_193 = vector.multi_reduction <add>, %exp3A, %reduce_sum3A_192 [1] : vector<2048x64xf32> to vector<2048xf32>
    %broadcast_in_dim3A_194 = vector.shape_cast %reduce_sum3A_193 : vector<2048xf32> to vector<2048x1xf32>
    %div3A_195 = vector.broadcast %broadcast_in_dim3A_194 : vector<2048x1xf32> to vector<2048x64xf32>
    %div3A_196 = arith.divf %exp3A, %div3A_195 : vector<2048x64xf32>
    %iota3A = tpu.iota {dimensions = array<i32: 1>} : vector<2048x64xi32>
    %reduce_max3A_197 = arith.constant dense<0xFF800000> : vector<2048xf32>
    %reduce_max3A_198 = vector.multi_reduction <maximumf>, %div3A_196, %reduce_max3A_197 [1] : vector<2048x64xf32> to vector<2048xf32>
    %broadcast_in_dim3A_199 = vector.shape_cast %reduce_max3A_198 : vector<2048xf32> to vector<2048x1xf32>
    %eq3A = vector.broadcast %broadcast_in_dim3A_199 : vector<2048x1xf32> to vector<2048x64xf32>
    %eq3A_200 = arith.cmpf oeq, %div3A_196, %eq3A : vector<2048x64xf32>
    %jit3A_201 = arith.constant 64 : i32
    %broadcast_in_dim3A_202 = vector.broadcast %jit3A_201 : i32 to vector<2048x64xi32>
    %select_n3A_203 = arith.select %eq3A_200, %iota3A, %broadcast_in_dim3A_202 : vector<2048x64xi1>, vector<2048x64xi32>
    %reduce_min3A = arith.constant dense<2147483647> : vector<2048xi32>
    %reduce_min3A_204 = vector.multi_reduction <minsi>, %select_n3A_203, %reduce_min3A [1] : vector<2048x64xi32> to vector<2048xi32>
    %broadcast_in_dim3A_205 = vector.shape_cast %reduce_min3A_204 : vector<2048xi32> to vector<2048x1xi32>
    %eq3A_206 = vector.broadcast %broadcast_in_dim3A_205 : vector<2048x1xi32> to vector<2048x64xi32>
    %eq3A_207 = arith.cmpi eq, %iota3A, %eq3A_206 : vector<2048x64xi32>
    %jit3A_208 = arith.constant -1.000000e+00 : f32
    %broadcast_in_dim3A_209 = vector.broadcast %jit3A_208 : f32 to vector<2048x64xf32>
    %select_n3A_210 = arith.select %eq3A_207, %broadcast_in_dim3A_209, %div3A_196 : vector<2048x64xi1>, vector<2048x64xf32>
    %reduce_max3A_211 = arith.constant dense<0xFF800000> : vector<2048xf32>
    %reduce_max3A_212 = vector.multi_reduction <maximumf>, %select_n3A_210, %reduce_max3A_211 [1] : vector<2048x64xf32> to vector<2048xf32>
    %broadcast_in_dim3A_213 = vector.shape_cast %reduce_max3A_212 : vector<2048xf32> to vector<2048x1xf32>
    %eq3A_214 = vector.broadcast %broadcast_in_dim3A_213 : vector<2048x1xf32> to vector<2048x64xf32>
    %eq3A_215 = arith.cmpf oeq, %select_n3A_210, %eq3A_214 : vector<2048x64xf32>
    %jit3A_216 = arith.constant 64 : i32
    %broadcast_in_dim3A_217 = vector.broadcast %jit3A_216 : i32 to vector<2048x64xi32>
    %select_n3A_218 = arith.select %eq3A_215, %iota3A, %broadcast_in_dim3A_217 : vector<2048x64xi1>, vector<2048x64xi32>
    %reduce_min3A_219 = arith.constant dense<2147483647> : vector<2048xi32>
    %reduce_min3A_220 = vector.multi_reduction <minsi>, %select_n3A_218, %reduce_min3A_219 [1] : vector<2048x64xi32> to vector<2048xi32>
    %broadcast_in_dim3A_221 = vector.shape_cast %reduce_min3A_220 : vector<2048xi32> to vector<2048x1xi32>
    %eq3A_222 = vector.broadcast %broadcast_in_dim3A_205 : vector<2048x1xi32> to vector<2048x64xi32>
    %eq3A_223 = arith.cmpi eq, %iota3A, %eq3A_222 : vector<2048x64xi32>
    %convert_element_type3A_224 = arith.extui %eq3A_223 : vector<2048x64xi1> to vector<2048x64xi32>
    %convert_element_type3A_225 = arith.sitofp %convert_element_type3A_224 : vector<2048x64xi32> to vector<2048x64xf32>
    %eq3A_226 = vector.broadcast %broadcast_in_dim3A_221 : vector<2048x1xi32> to vector<2048x64xi32>
    %eq3A_227 = arith.cmpi eq, %iota3A, %eq3A_226 : vector<2048x64xi32>
    %convert_element_type3A_228 = arith.extui %eq3A_227 : vector<2048x64xi1> to vector<2048x64xi32>
    %convert_element_type3A_229 = arith.sitofp %convert_element_type3A_228 : vector<2048x64xi32> to vector<2048x64xf32>
    %iota3A_230 = tpu.iota {dimensions = array<i32: 0>} : vector<256x256xi32>
    %iota3A_231 = tpu.iota {dimensions = array<i32: 1>} : vector<256x256xi32>
    %ge3A = arith.cmpi sge, %iota3A_230, %iota3A_231 : vector<256x256xi32>
    %convert_element_type3A_232 = arith.extui %ge3A : vector<256x256xi1> to vector<256x256xi32>
    %convert_element_type3A_233 = arith.sitofp %convert_element_type3A_232 : vector<256x256xi32> to vector<256x256xf32>
    %convert_element_type3A_234 = arith.truncf %convert_element_type3A_233 : vector<256x256xf32> to vector<256x256xbf16>
    %convert_element_type3A_235 = arith.truncf %convert_element_type3A_225 : vector<2048x64xf32> to vector<2048x64xbf16>
    %broadcast_in_dim3A_236 = arith.constant 0.000000e+00 : f32
    %broadcast_in_dim3A_237 = vector.broadcast %broadcast_in_dim3A_236 : f32 to vector<1x64xf32>
    %slice3A = vector.extract_strided_slice %convert_element_type3A_235 {offsets = [0, 0], sizes = [256, 64], strides = [1, 1]} : vector<2048x64xbf16> to vector<256x64xbf16>
    %dot_general3A_238 = arith.constant dense<0.000000e+00> : vector<256x64xf32>
    %dot_general3A_239 = tpu.matmul %convert_element_type3A_234, %slice3A, %dot_general3A_238 {dimension_numbers = #tpu.dot_dimension_numbers<[1], [0], [0], [1], [0, 0, 1, 1], [], []>, transpose_lhs_hint = false} : vector<256x256xbf16>, vector<256x64xbf16>, vector<256x64xf32> -> vector<256x64xf32>
    %add3A_240 = vector.broadcast %broadcast_in_dim3A_237 : vector<1x64xf32> to vector<256x64xf32>
    %add3A_241 = arith.addf %dot_general3A_239, %add3A_240 : vector<256x64xf32>
    %slice3A_242 = vector.extract_strided_slice %add3A_241 {offsets = [255, 0], sizes = [1, 64], strides = [1, 1]} : vector<256x64xf32> to vector<1x64xf32>
    %slice3A_243 = vector.extract_strided_slice %convert_element_type3A_235 {offsets = [256, 0], sizes = [256, 64], strides = [1, 1]} : vector<2048x64xbf16> to vector<256x64xbf16>
    %dot_general3A_244 = arith.constant dense<0.000000e+00> : vector<256x64xf32>
    %dot_general3A_245 = tpu.matmul %convert_element_type3A_234, %slice3A_243, %dot_general3A_244 {dimension_numbers = #tpu.dot_dimension_numbers<[1], [0], [0], [1], [0, 0, 1, 1], [], []>, transpose_lhs_hint = false} : vector<256x256xbf16>, vector<256x64xbf16>, vector<256x64xf32> -> vector<256x64xf32>
    %add3A_246 = vector.broadcast %slice3A_242 : vector<1x64xf32> to vector<256x64xf32>
    %add3A_247 = arith.addf %dot_general3A_245, %add3A_246 : vector<256x64xf32>
    %slice3A_248 = vector.extract_strided_slice %add3A_247 {offsets = [255, 0], sizes = [1, 64], strides = [1, 1]} : vector<256x64xf32> to vector<1x64xf32>
    %slice3A_249 = vector.extract_strided_slice %convert_element_type3A_235 {offsets = [512, 0], sizes = [256, 64], strides = [1, 1]} : vector<2048x64xbf16> to vector<256x64xbf16>
    %dot_general3A_250 = arith.constant dense<0.000000e+00> : vector<256x64xf32>
    %dot_general3A_251 = tpu.matmul %convert_element_type3A_234, %slice3A_249, %dot_general3A_250 {dimension_numbers = #tpu.dot_dimension_numbers<[1], [0], [0], [1], [0, 0, 1, 1], [], []>, transpose_lhs_hint = false} : vector<256x256xbf16>, vector<256x64xbf16>, vector<256x64xf32> -> vector<256x64xf32>
    %add3A_252 = vector.broadcast %slice3A_248 : vector<1x64xf32> to vector<256x64xf32>
    %add3A_253 = arith.addf %dot_general3A_251, %add3A_252 : vector<256x64xf32>
    %slice3A_254 = vector.extract_strided_slice %add3A_253 {offsets = [255, 0], sizes = [1, 64], strides = [1, 1]} : vector<256x64xf32> to vector<1x64xf32>
    %slice3A_255 = vector.extract_strided_slice %convert_element_type3A_235 {offsets = [768, 0], sizes = [256, 64], strides = [1, 1]} : vector<2048x64xbf16> to vector<256x64xbf16>
    %dot_general3A_256 = arith.constant dense<0.000000e+00> : vector<256x64xf32>
    %dot_general3A_257 = tpu.matmul %convert_element_type3A_234, %slice3A_255, %dot_general3A_256 {dimension_numbers = #tpu.dot_dimension_numbers<[1], [0], [0], [1], [0, 0, 1, 1], [], []>, transpose_lhs_hint = false} : vector<256x256xbf16>, vector<256x64xbf16>, vector<256x64xf32> -> vector<256x64xf32>
    %add3A_258 = vector.broadcast %slice3A_254 : vector<1x64xf32> to vector<256x64xf32>
    %add3A_259 = arith.addf %dot_general3A_257, %add3A_258 : vector<256x64xf32>
    %slice3A_260 = vector.extract_strided_slice %add3A_259 {offsets = [255, 0], sizes = [1, 64], strides = [1, 1]} : vector<256x64xf32> to vector<1x64xf32>
    %slice3A_261 = vector.extract_strided_slice %convert_element_type3A_235 {offsets = [1024, 0], sizes = [256, 64], strides = [1, 1]} : vector<2048x64xbf16> to vector<256x64xbf16>
    %dot_general3A_262 = arith.constant dense<0.000000e+00> : vector<256x64xf32>
    %dot_general3A_263 = tpu.matmul %convert_element_type3A_234, %slice3A_261, %dot_general3A_262 {dimension_numbers = #tpu.dot_dimension_numbers<[1], [0], [0], [1], [0, 0, 1, 1], [], []>, transpose_lhs_hint = false} : vector<256x256xbf16>, vector<256x64xbf16>, vector<256x64xf32> -> vector<256x64xf32>
    %add3A_264 = vector.broadcast %slice3A_260 : vector<1x64xf32> to vector<256x64xf32>
    %add3A_265 = arith.addf %dot_general3A_263, %add3A_264 : vector<256x64xf32>
    %slice3A_266 = vector.extract_strided_slice %add3A_265 {offsets = [255, 0], sizes = [1, 64], strides = [1, 1]} : vector<256x64xf32> to vector<1x64xf32>
    %slice3A_267 = vector.extract_strided_slice %convert_element_type3A_235 {offsets = [1280, 0], sizes = [256, 64], strides = [1, 1]} : vector<2048x64xbf16> to vector<256x64xbf16>
    %dot_general3A_268 = arith.constant dense<0.000000e+00> : vector<256x64xf32>
    %dot_general3A_269 = tpu.matmul %convert_element_type3A_234, %slice3A_267, %dot_general3A_268 {dimension_numbers = #tpu.dot_dimension_numbers<[1], [0], [0], [1], [0, 0, 1, 1], [], []>, transpose_lhs_hint = false} : vector<256x256xbf16>, vector<256x64xbf16>, vector<256x64xf32> -> vector<256x64xf32>
    %add3A_270 = vector.broadcast %slice3A_266 : vector<1x64xf32> to vector<256x64xf32>
    %add3A_271 = arith.addf %dot_general3A_269, %add3A_270 : vector<256x64xf32>
    %slice3A_272 = vector.extract_strided_slice %add3A_271 {offsets = [255, 0], sizes = [1, 64], strides = [1, 1]} : vector<256x64xf32> to vector<1x64xf32>
    %slice3A_273 = vector.extract_strided_slice %convert_element_type3A_235 {offsets = [1536, 0], sizes = [256, 64], strides = [1, 1]} : vector<2048x64xbf16> to vector<256x64xbf16>
    %dot_general3A_274 = arith.constant dense<0.000000e+00> : vector<256x64xf32>
    %dot_general3A_275 = tpu.matmul %convert_element_type3A_234, %slice3A_273, %dot_general3A_274 {dimension_numbers = #tpu.dot_dimension_numbers<[1], [0], [0], [1], [0, 0, 1, 1], [], []>, transpose_lhs_hint = false} : vector<256x256xbf16>, vector<256x64xbf16>, vector<256x64xf32> -> vector<256x64xf32>
    %add3A_276 = vector.broadcast %slice3A_272 : vector<1x64xf32> to vector<256x64xf32>
    %add3A_277 = arith.addf %dot_general3A_275, %add3A_276 : vector<256x64xf32>
    %slice3A_278 = vector.extract_strided_slice %add3A_277 {offsets = [255, 0], sizes = [1, 64], strides = [1, 1]} : vector<256x64xf32> to vector<1x64xf32>
    %slice3A_279 = vector.extract_strided_slice %convert_element_type3A_235 {offsets = [1792, 0], sizes = [256, 64], strides = [1, 1]} : vector<2048x64xbf16> to vector<256x64xbf16>
    %dot_general3A_280 = arith.constant dense<0.000000e+00> : vector<256x64xf32>
    %dot_general3A_281 = tpu.matmul %convert_element_type3A_234, %slice3A_279, %dot_general3A_280 {dimension_numbers = #tpu.dot_dimension_numbers<[1], [0], [0], [1], [0, 0, 1, 1], [], []>, transpose_lhs_hint = false} : vector<256x256xbf16>, vector<256x64xbf16>, vector<256x64xf32> -> vector<256x64xf32>
    %add3A_282 = vector.broadcast %slice3A_278 : vector<1x64xf32> to vector<256x64xf32>
    %add3A_283 = arith.addf %dot_general3A_281, %add3A_282 : vector<256x64xf32>
    %concatenate3A_284 = tpu.concatenate %add3A_241, %add3A_247, %add3A_253, %add3A_259, %add3A_265, %add3A_271, %add3A_277, %add3A_283 in 0 : vector<256x64xf32>, vector<256x64xf32>, vector<256x64xf32>, vector<256x64xf32>, vector<256x64xf32>, vector<256x64xf32>, vector<256x64xf32>, vector<256x64xf32> -> vector<2048x64xf32>
    %convert_element_type3A_285 = arith.truncf %convert_element_type3A_229 : vector<2048x64xf32> to vector<2048x64xbf16>
    %broadcast_in_dim3A_286 = arith.constant 0.000000e+00 : f32
    %broadcast_in_dim3A_287 = vector.broadcast %broadcast_in_dim3A_286 : f32 to vector<1x64xf32>
    %slice3A_288 = vector.extract_strided_slice %convert_element_type3A_285 {offsets = [0, 0], sizes = [256, 64], strides = [1, 1]} : vector<2048x64xbf16> to vector<256x64xbf16>
    %dot_general3A_289 = arith.constant dense<0.000000e+00> : vector<256x64xf32>
    %dot_general3A_290 = tpu.matmul %convert_element_type3A_234, %slice3A_288, %dot_general3A_289 {dimension_numbers = #tpu.dot_dimension_numbers<[1], [0], [0], [1], [0, 0, 1, 1], [], []>, transpose_lhs_hint = false} : vector<256x256xbf16>, vector<256x64xbf16>, vector<256x64xf32> -> vector<256x64xf32>
    %add3A_291 = vector.broadcast %broadcast_in_dim3A_287 : vector<1x64xf32> to vector<256x64xf32>
    %add3A_292 = arith.addf %dot_general3A_290, %add3A_291 : vector<256x64xf32>
    %slice3A_293 = vector.extract_strided_slice %add3A_292 {offsets = [255, 0], sizes = [1, 64], strides = [1, 1]} : vector<256x64xf32> to vector<1x64xf32>
    %slice3A_294 = vector.extract_strided_slice %convert_element_type3A_285 {offsets = [256, 0], sizes = [256, 64], strides = [1, 1]} : vector<2048x64xbf16> to vector<256x64xbf16>
    %dot_general3A_295 = arith.constant dense<0.000000e+00> : vector<256x64xf32>
    %dot_general3A_296 = tpu.matmul %convert_element_type3A_234, %slice3A_294, %dot_general3A_295 {dimension_numbers = #tpu.dot_dimension_numbers<[1], [0], [0], [1], [0, 0, 1, 1], [], []>, transpose_lhs_hint = false} : vector<256x256xbf16>, vector<256x64xbf16>, vector<256x64xf32> -> vector<256x64xf32>
    %add3A_297 = vector.broadcast %slice3A_293 : vector<1x64xf32> to vector<256x64xf32>
    %add3A_298 = arith.addf %dot_general3A_296, %add3A_297 : vector<256x64xf32>
    %slice3A_299 = vector.extract_strided_slice %add3A_298 {offsets = [255, 0], sizes = [1, 64], strides = [1, 1]} : vector<256x64xf32> to vector<1x64xf32>
    %slice3A_300 = vector.extract_strided_slice %convert_element_type3A_285 {offsets = [512, 0], sizes = [256, 64], strides = [1, 1]} : vector<2048x64xbf16> to vector<256x64xbf16>
    %dot_general3A_301 = arith.constant dense<0.000000e+00> : vector<256x64xf32>
    %dot_general3A_302 = tpu.matmul %convert_element_type3A_234, %slice3A_300, %dot_general3A_301 {dimension_numbers = #tpu.dot_dimension_numbers<[1], [0], [0], [1], [0, 0, 1, 1], [], []>, transpose_lhs_hint = false} : vector<256x256xbf16>, vector<256x64xbf16>, vector<256x64xf32> -> vector<256x64xf32>
    %add3A_303 = vector.broadcast %slice3A_299 : vector<1x64xf32> to vector<256x64xf32>
    %add3A_304 = arith.addf %dot_general3A_302, %add3A_303 : vector<256x64xf32>
    %slice3A_305 = vector.extract_strided_slice %add3A_304 {offsets = [255, 0], sizes = [1, 64], strides = [1, 1]} : vector<256x64xf32> to vector<1x64xf32>
    %slice3A_306 = vector.extract_strided_slice %convert_element_type3A_285 {offsets = [768, 0], sizes = [256, 64], strides = [1, 1]} : vector<2048x64xbf16> to vector<256x64xbf16>
    %dot_general3A_307 = arith.constant dense<0.000000e+00> : vector<256x64xf32>
    %dot_general3A_308 = tpu.matmul %convert_element_type3A_234, %slice3A_306, %dot_general3A_307 {dimension_numbers = #tpu.dot_dimension_numbers<[1], [0], [0], [1], [0, 0, 1, 1], [], []>, transpose_lhs_hint = false} : vector<256x256xbf16>, vector<256x64xbf16>, vector<256x64xf32> -> vector<256x64xf32>
    %add3A_309 = vector.broadcast %slice3A_305 : vector<1x64xf32> to vector<256x64xf32>
    %add3A_310 = arith.addf %dot_general3A_308, %add3A_309 : vector<256x64xf32>
    %slice3A_311 = vector.extract_strided_slice %add3A_310 {offsets = [255, 0], sizes = [1, 64], strides = [1, 1]} : vector<256x64xf32> to vector<1x64xf32>
    %slice3A_312 = vector.extract_strided_slice %convert_element_type3A_285 {offsets = [1024, 0], sizes = [256, 64], strides = [1, 1]} : vector<2048x64xbf16> to vector<256x64xbf16>
    %dot_general3A_313 = arith.constant dense<0.000000e+00> : vector<256x64xf32>
    %dot_general3A_314 = tpu.matmul %convert_element_type3A_234, %slice3A_312, %dot_general3A_313 {dimension_numbers = #tpu.dot_dimension_numbers<[1], [0], [0], [1], [0, 0, 1, 1], [], []>, transpose_lhs_hint = false} : vector<256x256xbf16>, vector<256x64xbf16>, vector<256x64xf32> -> vector<256x64xf32>
    %add3A_315 = vector.broadcast %slice3A_311 : vector<1x64xf32> to vector<256x64xf32>
    %add3A_316 = arith.addf %dot_general3A_314, %add3A_315 : vector<256x64xf32>
    %slice3A_317 = vector.extract_strided_slice %add3A_316 {offsets = [255, 0], sizes = [1, 64], strides = [1, 1]} : vector<256x64xf32> to vector<1x64xf32>
    %slice3A_318 = vector.extract_strided_slice %convert_element_type3A_285 {offsets = [1280, 0], sizes = [256, 64], strides = [1, 1]} : vector<2048x64xbf16> to vector<256x64xbf16>
    %dot_general3A_319 = arith.constant dense<0.000000e+00> : vector<256x64xf32>
    %dot_general3A_320 = tpu.matmul %convert_element_type3A_234, %slice3A_318, %dot_general3A_319 {dimension_numbers = #tpu.dot_dimension_numbers<[1], [0], [0], [1], [0, 0, 1, 1], [], []>, transpose_lhs_hint = false} : vector<256x256xbf16>, vector<256x64xbf16>, vector<256x64xf32> -> vector<256x64xf32>
    %add3A_321 = vector.broadcast %slice3A_317 : vector<1x64xf32> to vector<256x64xf32>
    %add3A_322 = arith.addf %dot_general3A_320, %add3A_321 : vector<256x64xf32>
    %slice3A_323 = vector.extract_strided_slice %add3A_322 {offsets = [255, 0], sizes = [1, 64], strides = [1, 1]} : vector<256x64xf32> to vector<1x64xf32>
    %slice3A_324 = vector.extract_strided_slice %convert_element_type3A_285 {offsets = [1536, 0], sizes = [256, 64], strides = [1, 1]} : vector<2048x64xbf16> to vector<256x64xbf16>
    %dot_general3A_325 = arith.constant dense<0.000000e+00> : vector<256x64xf32>
    %dot_general3A_326 = tpu.matmul %convert_element_type3A_234, %slice3A_324, %dot_general3A_325 {dimension_numbers = #tpu.dot_dimension_numbers<[1], [0], [0], [1], [0, 0, 1, 1], [], []>, transpose_lhs_hint = false} : vector<256x256xbf16>, vector<256x64xbf16>, vector<256x64xf32> -> vector<256x64xf32>
    %add3A_327 = vector.broadcast %slice3A_323 : vector<1x64xf32> to vector<256x64xf32>
    %add3A_328 = arith.addf %dot_general3A_326, %add3A_327 : vector<256x64xf32>
    %slice3A_329 = vector.extract_strided_slice %add3A_328 {offsets = [255, 0], sizes = [1, 64], strides = [1, 1]} : vector<256x64xf32> to vector<1x64xf32>
    %slice3A_330 = vector.extract_strided_slice %convert_element_type3A_285 {offsets = [1792, 0], sizes = [256, 64], strides = [1, 1]} : vector<2048x64xbf16> to vector<256x64xbf16>
    %dot_general3A_331 = arith.constant dense<0.000000e+00> : vector<256x64xf32>
    %dot_general3A_332 = tpu.matmul %convert_element_type3A_234, %slice3A_330, %dot_general3A_331 {dimension_numbers = #tpu.dot_dimension_numbers<[1], [0], [0], [1], [0, 0, 1, 1], [], []>, transpose_lhs_hint = false} : vector<256x256xbf16>, vector<256x64xbf16>, vector<256x64xf32> -> vector<256x64xf32>
    %add3A_333 = vector.broadcast %slice3A_329 : vector<1x64xf32> to vector<256x64xf32>
    %add3A_334 = arith.addf %dot_general3A_332, %add3A_333 : vector<256x64xf32>
    %concatenate3A_335 = tpu.concatenate %add3A_292, %add3A_298, %add3A_304, %add3A_310, %add3A_316, %add3A_322, %add3A_328, %add3A_334 in 0 : vector<256x64xf32>, vector<256x64xf32>, vector<256x64xf32>, vector<256x64xf32>, vector<256x64xf32>, vector<256x64xf32>, vector<256x64xf32>, vector<256x64xf32> -> vector<2048x64xf32>
    %sub3A_336 = arith.constant 1.000000e+00 : f32
    %sub3A_337 = vector.broadcast %sub3A_336 : f32 to vector<2048x64xf32>
    %sub3A_338 = arith.subf %concatenate3A_284, %sub3A_337 : vector<2048x64xf32>
    %mul3A_339 = arith.mulf %sub3A_338, %convert_element_type3A_225 : vector<2048x64xf32>
    %reduce_sum3A_340 = arith.constant dense<0.000000e+00> : vector<2048xf32>
    %reduce_sum3A_341 = vector.multi_reduction <add>, %mul3A_339, %reduce_sum3A_340 [1] : vector<2048x64xf32> to vector<2048xf32>
    %broadcast_in_dim3A_342 = vector.shape_cast %reduce_sum3A_341 : vector<2048xf32> to vector<2048x1xf32>
    %convert_element_type3A_343 = arith.fptosi %broadcast_in_dim3A_342 : vector<2048x1xf32> to vector<2048x1xi32>
    %sub3A_344 = arith.constant 1.000000e+00 : f32
    %sub3A_345 = vector.broadcast %sub3A_344 : f32 to vector<2048x64xf32>
    %sub3A_346 = arith.subf %concatenate3A_335, %sub3A_345 : vector<2048x64xf32>
    %mul3A_347 = arith.mulf %sub3A_346, %convert_element_type3A_229 : vector<2048x64xf32>
    %reduce_sum3A_348 = arith.constant dense<0.000000e+00> : vector<2048xf32>
    %reduce_sum3A_349 = vector.multi_reduction <add>, %mul3A_347, %reduce_sum3A_348 [1] : vector<2048x64xf32> to vector<2048xf32>
    %broadcast_in_dim3A_350 = vector.shape_cast %reduce_sum3A_349 : vector<2048xf32> to vector<2048x1xf32>
    %convert_element_type3A_351 = arith.fptosi %broadcast_in_dim3A_350 : vector<2048x1xf32> to vector<2048x1xi32>
    %lt3A = arith.constant 80 : i32
    %lt3A_352 = vector.broadcast %lt3A : i32 to vector<2048x1xi32>
    %lt3A_353 = arith.cmpi slt, %convert_element_type3A_343, %lt3A_352 : vector<2048x1xi32>
    %convert_element_type3A_354 = arith.extui %lt3A_353 : vector<2048x1xi1> to vector<2048x1xi32>
    %convert_element_type3A_355 = arith.sitofp %convert_element_type3A_354 : vector<2048x1xi32> to vector<2048x1xf32>
    %mul3A_356 = vector.broadcast %convert_element_type3A_355 : vector<2048x1xf32> to vector<2048x64xf32>
    %mul3A_357 = arith.mulf %convert_element_type3A_225, %mul3A_356 : vector<2048x64xf32>
    %reduce_sum3A_358 = arith.constant dense<0.000000e+00> : vector<64xf32>
    %reduce_sum3A_359 = vector.multi_reduction <add>, %mul3A_357, %reduce_sum3A_358 [0] : vector<2048x64xf32> to vector<64xf32>
    %broadcast_in_dim3A_360 = vector.shape_cast %reduce_sum3A_359 : vector<64xf32> to vector<1x64xf32>
    %mul3A_361 = vector.broadcast %broadcast_in_dim3A_360 : vector<1x64xf32> to vector<2048x64xf32>
    %mul3A_362 = arith.mulf %convert_element_type3A_229, %mul3A_361 : vector<2048x64xf32>
    %reduce_sum3A_363 = arith.constant dense<0.000000e+00> : vector<2048xf32>
    %reduce_sum3A_364 = vector.multi_reduction <add>, %mul3A_362, %reduce_sum3A_363 [1] : vector<2048x64xf32> to vector<2048xf32>
    %broadcast_in_dim3A_365 = vector.shape_cast %reduce_sum3A_364 : vector<2048xf32> to vector<2048x1xf32>
    %convert_element_type3A_366 = arith.fptosi %broadcast_in_dim3A_365 : vector<2048x1xf32> to vector<2048x1xi32>
    %sub3A_367 = arith.constant 80 : i32
    %sub3A_368 = vector.broadcast %sub3A_367 : i32 to vector<2048x1xi32>
    %sub3A_369 = arith.subi %sub3A_368, %convert_element_type3A_366 : vector<2048x1xi32>
    %lt3A_370 = arith.cmpi slt, %convert_element_type3A_351, %sub3A_369 : vector<2048x1xi32>
    %convert_element_type3A_371 = arith.extui %lt3A_370 : vector<2048x1xi1> to vector<2048x1xi32>
    %convert_element_type3A_372 = arith.sitofp %convert_element_type3A_371 : vector<2048x1xi32> to vector<2048x1xf32>
    %mul3A_373 = vector.broadcast %convert_element_type3A_372 : vector<2048x1xf32> to vector<2048x64xf32>
    %mul3A_374 = arith.mulf %convert_element_type3A_229, %mul3A_373 : vector<2048x64xf32>
    %reduce_sum3A_375 = arith.constant dense<0.000000e+00> : vector<64xf32>
    %reduce_sum3A_376 = vector.multi_reduction <add>, %mul3A_374, %reduce_sum3A_375 [0] : vector<2048x64xf32> to vector<64xf32>
    %broadcast_in_dim3A_377 = vector.shape_cast %reduce_sum3A_376 : vector<64xf32> to vector<1x64xf32>
    %add3A_378 = arith.addf %broadcast_in_dim3A_360, %broadcast_in_dim3A_377 : vector<1x64xf32>
    %add3A_379 = arith.addi %convert_element_type3A_366, %convert_element_type3A_351 : vector<2048x1xi32>
    %mul3A_380 = arith.constant 80 : i32
    %mul3A_381 = vector.broadcast %mul3A_380 : i32 to vector<2048x1xi32>
    %mul3A_382 = arith.muli %broadcast_in_dim3A_205, %mul3A_381 : vector<2048x1xi32>
    %add3A_383 = arith.addi %mul3A_382, %convert_element_type3A_343 : vector<2048x1xi32>
    %jit3A_384 = arith.constant 5120 : i32
    %broadcast_in_dim3A_385 = vector.broadcast %jit3A_384 : i32 to vector<2048x1xi32>
    %select_n3A_386 = arith.select %lt3A_353, %add3A_383, %broadcast_in_dim3A_385 : vector<2048x1xi1>, vector<2048x1xi32>
    %swap3A_387 = arith.constant 0 : index
    %swap3A_388 = arith.constant 0 : index
    %swap3A_389 = vector.load %arg9[%swap3A_387, %swap3A_388] : memref<4096x1xi32, #tpu.memory_space<vmem>>, vector<2048x1xi32>
    tpu.vector_store %arg9[%swap3A_387, %swap3A_388], %select_n3A_386 {strides = array<i32>} : memref<4096x1xi32, #tpu.memory_space<vmem>>, vector<2048x1xi32>,
    %mul3A_390 = arith.constant 80 : i32
    %mul3A_391 = vector.broadcast %mul3A_390 : i32 to vector<2048x1xi32>
    %mul3A_392 = arith.muli %broadcast_in_dim3A_221, %mul3A_391 : vector<2048x1xi32>
    %add3A_393 = arith.addi %mul3A_392, %add3A_379 : vector<2048x1xi32>
    %jit3A_394 = arith.constant 5120 : i32
    %broadcast_in_dim3A_395 = vector.broadcast %jit3A_394 : i32 to vector<2048x1xi32>
    %select_n3A_396 = arith.select %lt3A_370, %add3A_393, %broadcast_in_dim3A_395 : vector<2048x1xi1>, vector<2048x1xi32>
    %swap3A_397 = arith.constant 2048 : index
    %swap3A_398 = arith.constant 0 : index
    %swap3A_399 = vector.load %arg9[%swap3A_397, %swap3A_398] : memref<4096x1xi32, #tpu.memory_space<vmem>>, vector<2048x1xi32>
    tpu.vector_store %arg9[%swap3A_397, %swap3A_398], %select_n3A_396 {strides = array<i32>} : memref<4096x1xi32, #tpu.memory_space<vmem>>, vector<2048x1xi32>,
    %mul3A_400 = arith.constant 80 : i32
    %mul3A_401 = vector.broadcast %mul3A_400 : i32 to vector<2048x1xi32>
    %mul3A_402 = arith.muli %broadcast_in_dim3A_205, %mul3A_401 : vector<2048x1xi32>
    %jit3A_403 = arith.constant 79 : i32
    %broadcast_in_dim3A_404 = vector.broadcast %jit3A_403 : i32 to vector<2048x1xi32>
    %select_n3A_405 = arith.select %lt3A_353, %convert_element_type3A_343, %broadcast_in_dim3A_404 : vector<2048x1xi1>, vector<2048x1xi32>
    %add3A_406 = arith.addi %mul3A_402, %select_n3A_405 : vector<2048x1xi32>
    %swap3A_407 = arith.constant 0 : index
    %swap3A_408 = arith.constant 0 : index
    %swap3A_409 = vector.load %arg10[%swap3A_407, %swap3A_408] : memref<4096x1xi32, #tpu.memory_space<vmem>>, vector<2048x1xi32>
    tpu.vector_store %arg10[%swap3A_407, %swap3A_408], %add3A_406 {strides = array<i32>} : memref<4096x1xi32, #tpu.memory_space<vmem>>, vector<2048x1xi32>,
    %mul3A_410 = arith.constant 80 : i32
    %mul3A_411 = vector.broadcast %mul3A_410 : i32 to vector<2048x1xi32>
    %mul3A_412 = arith.muli %broadcast_in_dim3A_221, %mul3A_411 : vector<2048x1xi32>
    %jit3A_413 = arith.constant 79 : i32
    %broadcast_in_dim3A_414 = vector.broadcast %jit3A_413 : i32 to vector<2048x1xi32>
    %select_n3A_415 = arith.select %lt3A_370, %add3A_379, %broadcast_in_dim3A_414 : vector<2048x1xi1>, vector<2048x1xi32>
    %add3A_416 = arith.addi %mul3A_412, %select_n3A_415 : vector<2048x1xi32>
    %swap3A_417 = arith.constant 2048 : index
    %swap3A_418 = arith.constant 0 : index
    %swap3A_419 = vector.load %arg10[%swap3A_417, %swap3A_418] : memref<4096x1xi32, #tpu.memory_space<vmem>>, vector<2048x1xi32>
    tpu.vector_store %arg10[%swap3A_417, %swap3A_418], %add3A_416 {strides = array<i32>} : memref<4096x1xi32, #tpu.memory_space<vmem>>, vector<2048x1xi32>,
    %jit3A_420 = arith.constant 0.000000e+00 : f32
    %broadcast_in_dim3A_421 = vector.broadcast %jit3A_420 : f32 to vector<2048x1xf32>
    %select_n3A_422 = arith.select %lt3A_353, %broadcast_in_dim3A_199, %broadcast_in_dim3A_421 : vector<2048x1xi1>, vector<2048x1xf32>
    %swap3A_423 = arith.constant 0 : index
    %swap3A_424 = arith.constant 0 : index
    %swap3A_425 = vector.load %arg11[%swap3A_423, %swap3A_424] : memref<2048x1xf32, #tpu.memory_space<vmem>>, vector<2048x1xf32>
    tpu.vector_store %arg11[%swap3A_423, %swap3A_424], %select_n3A_422 {strides = array<i32>} : memref<2048x1xf32, #tpu.memory_space<vmem>>, vector<2048x1xf32>,
    %jit3A_426 = arith.constant 0.000000e+00 : f32
    %broadcast_in_dim3A_427 = vector.broadcast %jit3A_426 : f32 to vector<2048x1xf32>
    %select_n3A_428 = arith.select %lt3A_370, %broadcast_in_dim3A_213, %broadcast_in_dim3A_427 : vector<2048x1xi1>, vector<2048x1xf32>
    %swap3A_429 = arith.constant 0 : index
    %swap3A_430 = arith.constant 0 : index
    %swap3A_431 = vector.load %arg12[%swap3A_429, %swap3A_430] : memref<2048x1xf32, #tpu.memory_space<vmem>>, vector<2048x1xf32>
    tpu.vector_store %arg12[%swap3A_429, %swap3A_430], %select_n3A_428 {strides = array<i32>} : memref<2048x1xf32, #tpu.memory_space<vmem>>, vector<2048x1xf32>,
    %reduce_sum3A_432 = arith.constant dense<0.000000e+00> : vector<64xf32>
    %reduce_sum3A_433 = vector.multi_reduction <add>, %div3A_196, %reduce_sum3A_432 [0] : vector<2048x64xf32> to vector<64xf32>
    %broadcast_in_dim3A_434 = vector.shape_cast %reduce_sum3A_433 : vector<64xf32> to vector<1x64xf32>
    %mul3A_435 = arith.constant 4.8828125E-4 : f32
    %mul3A_436 = vector.broadcast %mul3A_435 : f32 to vector<1x64xf32>
    %mul3A_437 = arith.mulf %broadcast_in_dim3A_434, %mul3A_436 : vector<1x64xf32>
    %max3A = arith.constant 9.99999971E-10 : f32
    %max3A_438 = vector.broadcast %max3A : f32 to vector<1x64xf32>
    %max3A_439 = arith.maximumf %add3A_378, %max3A_438 : vector<1x64xf32>
    %mul3A_440 = arith.constant 2.44140625E-4 : f32
    %mul3A_441 = vector.broadcast %mul3A_440 : f32 to vector<1x64xf32>
    %mul3A_442 = arith.mulf %max3A_439, %mul3A_441 : vector<1x64xf32>
    %mul3A_443 = arith.mulf %mul3A_437, %mul3A_442 : vector<1x64xf32>
    %reduce_sum3A_444 = arith.constant dense<0.000000e+00> : vector<1xf32>
    %reduce_sum3A_445 = vector.multi_reduction <add>, %mul3A_443, %reduce_sum3A_444 [1] : vector<1x64xf32> to vector<1xf32>
    %broadcast_in_dim3A_446 = vector.shape_cast %reduce_sum3A_445 : vector<1xf32> to vector<1x1xf32>
    %mul3A_447 = arith.constant 6.400000e+01 : f32
    %mul3A_448 = vector.broadcast %mul3A_447 : f32 to vector<1x1xf32>
    %mul3A_449 = arith.mulf %broadcast_in_dim3A_446, %mul3A_448 : vector<1x1xf32>
    %swap3A_450 = arith.constant 0 : index
    %swap3A_451 = arith.constant 0 : index
    %swap3A_452 = vector.load %arg13[%swap3A_450, %swap3A_451] : memref<1x1xf32, #tpu.memory_space<vmem>>, vector<1x1xf32>
    tpu.vector_store %arg13[%swap3A_450, %swap3A_451], %mul3A_449 {strides = array<i32>} : memref<1x1xf32, #tpu.memory_space<vmem>>, vector<1x1xf32>,
    return
  }
}

module attributes {stable_mosaic.version = 14 : i64} {
  func.func @_ffn_body(%arg0: i32, %arg1: memref<80x768xf32, #tpu.memory_space<vmem>>, %arg2: memref<1x1024x768xf32, #tpu.memory_space<vmem>>, %arg3: memref<1x768x512xf32, #tpu.memory_space<vmem>>, %arg4: memref<80x768xf32, #tpu.memory_space<vmem>>) attributes {dimension_semantics = [#tpu.dimension_semantics<arbitrary>], iteration_bounds = array<i64: 64>, scalar_prefetch = 0 : i64, scratch_operands = 0 : i64, tpu.core_type = #tpu.core_type<tc>, window_params = [{transform_indices = @transform_0, window_bounds = array<i64: 80, 768>}, {transform_indices = @transform_1, window_bounds = array<i64: 1, 1024, 768>}, {transform_indices = @transform_2, window_bounds = array<i64: 1, 768, 512>}, {transform_indices = @transform_3, window_bounds = array<i64: 80, 768>}]} {
    %get3A = arith.constant 0 : index
    %get3A_0 = arith.constant 0 : index
    %get3A_1 = vector.load %arg1[%get3A, %get3A_0] : memref<80x768xf32, #tpu.memory_space<vmem>>, vector<80x768xf32>
    %get3A_2 = arith.constant 0 : index
    %get3A_3 = arith.constant 0 : index
    %get3A_4 = arith.constant 0 : index
    %get3A_5 = vector.load %arg2[%get3A_2, %get3A_3, %get3A_4] : memref<1x1024x768xf32, #tpu.memory_space<vmem>>, vector<1x1024x768xf32>
    %get3A_6 = vector.shape_cast %get3A_5 : vector<1x1024x768xf32> to vector<1024x768xf32>
    %convert_element_type3A = arith.truncf %get3A_1 : vector<80x768xf32> to vector<80x768xbf16>
    %convert_element_type3A_7 = arith.truncf %get3A_6 : vector<1024x768xf32> to vector<1024x768xbf16>
    %dot_general3A = arith.constant dense<0.000000e+00> : vector<80x1024xf32>
    %dot_general3A_8 = tpu.matmul %convert_element_type3A, %convert_element_type3A_7, %dot_general3A {dimension_numbers = #tpu.dot_dimension_numbers<[1], [1], [0], [0], [0, 0, 1, 0], [], []>, transpose_lhs_hint = false} : vector<80x768xbf16>, vector<1024x768xbf16>, vector<80x1024xf32> -> vector<80x1024xf32>
    %slice3A = vector.extract_strided_slice %dot_general3A_8 {offsets = [0, 0], sizes = [80, 512], strides = [1, 1]} : vector<80x1024xf32> to vector<80x512xf32>
    %slice3A_9 = vector.extract_strided_slice %dot_general3A_8 {offsets = [0, 512], sizes = [80, 512], strides = [1, 1]} : vector<80x1024xf32> to vector<80x512xf32>
    %logistic3A = arith.negf %slice3A : vector<80x512xf32>
    %logistic3A_10 = math.exp %logistic3A : vector<80x512xf32>
    %logistic3A_11 = arith.constant 1.000000e+00 : f32
    %logistic3A_12 = vector.broadcast %logistic3A_11 : f32 to vector<80x512xf32>
    %logistic3A_13 = arith.addf %logistic3A_12, %logistic3A_10 : vector<80x512xf32>
    %logistic3A_14 = arith.divf %logistic3A_12, %logistic3A_13 : vector<80x512xf32>
    %mul3A = arith.mulf %slice3A, %logistic3A_14 : vector<80x512xf32>
    %mul3A_15 = arith.mulf %mul3A, %slice3A_9 : vector<80x512xf32>
    %get3A_16 = arith.constant 0 : index
    %get3A_17 = arith.constant 0 : index
    %get3A_18 = arith.constant 0 : index
    %get3A_19 = vector.load %arg3[%get3A_16, %get3A_17, %get3A_18] : memref<1x768x512xf32, #tpu.memory_space<vmem>>, vector<1x768x512xf32>
    %get3A_20 = vector.shape_cast %get3A_19 : vector<1x768x512xf32> to vector<768x512xf32>
    %convert_element_type3A_21 = arith.truncf %mul3A_15 : vector<80x512xf32> to vector<80x512xbf16>
    %convert_element_type3A_22 = arith.truncf %get3A_20 : vector<768x512xf32> to vector<768x512xbf16>
    %dot_general3A_23 = arith.constant dense<0.000000e+00> : vector<80x768xf32>
    %dot_general3A_24 = tpu.matmul %convert_element_type3A_21, %convert_element_type3A_22, %dot_general3A_23 {dimension_numbers = #tpu.dot_dimension_numbers<[1], [1], [0], [0], [0, 0, 1, 0], [], []>, transpose_lhs_hint = false} : vector<80x512xbf16>, vector<768x512xbf16>, vector<80x768xf32> -> vector<80x768xf32>
    %swap3A = arith.constant 0 : index
    %swap3A_25 = arith.constant 0 : index
    %swap3A_26 = vector.load %arg4[%swap3A, %swap3A_25] : memref<80x768xf32, #tpu.memory_space<vmem>>, vector<80x768xf32>
    tpu.vector_store %arg4[%swap3A, %swap3A_25], %dot_general3A_24 {strides = array<i32>} : memref<80x768xf32, #tpu.memory_space<vmem>>, vector<80x768xf32>,
    return
  }
  func.func @transform_0(%arg0: i32) -> (i32, i32) {
    %c0_i32 = arith.constant 0 : i32
    %c0_i32_0 = arith.constant 0 : i32
    return %arg0, %c0_i32 : i32, i32
  }
  func.func @transform_1(%arg0: i32) -> (i32, i32, i32) {
    %c0_i32 = arith.constant 0 : i32
    %c0_i32_0 = arith.constant 0 : i32
    %c0_i32_1 = arith.constant 0 : i32
    return %arg0, %c0_i32, %c0_i32_0 : i32, i32, i32
  }
  func.func @transform_2(%arg0: i32) -> (i32, i32, i32) {
    %c0_i32 = arith.constant 0 : i32
    %c0_i32_0 = arith.constant 0 : i32
    %c0_i32_1 = arith.constant 0 : i32
    return %arg0, %c0_i32, %c0_i32_0 : i32, i32, i32
  }
  func.func @transform_3(%arg0: i32) -> (i32, i32) {
    %c0_i32 = arith.constant 0 : i32
    %c0_i32_0 = arith.constant 0 : i32
    return %arg0, %c0_i32 : i32, i32
  }
}

module attributes {stable_mosaic.version = 14 : i64} {
  func.func @_combine_body(%arg0: i32, %arg1: memref<256x768xf32, #tpu.memory_space<vmem>>, %arg2: memref<256x768xf32, #tpu.memory_space<vmem>>, %arg3: memref<256x768xf32, #tpu.memory_space<vmem>>, %arg4: memref<256x1xf32, #tpu.memory_space<vmem>>, %arg5: memref<256x1xf32, #tpu.memory_space<vmem>>, %arg6: memref<256x768xf32, #tpu.memory_space<vmem>>) attributes {dimension_semantics = [#tpu.dimension_semantics<arbitrary>], iteration_bounds = array<i64: 8>, scalar_prefetch = 0 : i64, scratch_operands = 0 : i64, tpu.core_type = #tpu.core_type<tc>, window_params = [{transform_indices = @transform_0, window_bounds = array<i64: 256, 768>}, {transform_indices = @transform_1, window_bounds = array<i64: 256, 768>}, {transform_indices = @transform_2, window_bounds = array<i64: 256, 768>}, {transform_indices = @transform_3, window_bounds = array<i64: 256, 1>}, {transform_indices = @transform_4, window_bounds = array<i64: 256, 1>}, {transform_indices = @transform_5, window_bounds = array<i64: 256, 768>}]} {
    %get3A = arith.constant 0 : index
    %get3A_0 = arith.constant 0 : index
    %get3A_1 = vector.load %arg4[%get3A, %get3A_0] : memref<256x1xf32, #tpu.memory_space<vmem>>, vector<256x1xf32>
    %gt3A = arith.constant 0.000000e+00 : f32
    %gt3A_2 = vector.broadcast %gt3A : f32 to vector<256x1xf32>
    %gt3A_3 = arith.cmpf ogt, %get3A_1, %gt3A_2 : vector<256x1xf32>
    %get3A_4 = arith.constant 0 : index
    %get3A_5 = arith.constant 0 : index
    %get3A_6 = vector.load %arg2[%get3A_4, %get3A_5] : memref<256x768xf32, #tpu.memory_space<vmem>>, vector<256x768xf32>
    %jit3A = arith.constant 0.000000e+00 : f32
    %broadcast_in_dim3A = vector.shape_cast %gt3A_3 : vector<256x1xi1> to vector<256x1xi1>
    %broadcast_in_dim3A_7 = vector.broadcast %broadcast_in_dim3A : vector<256x1xi1> to vector<256x768xi1>
    %broadcast_in_dim3A_8 = vector.broadcast %jit3A : f32 to vector<256x768xf32>
    %select_n3A = arith.select %broadcast_in_dim3A_7, %get3A_6, %broadcast_in_dim3A_8 : vector<256x768xi1>, vector<256x768xf32>
    %get3A_9 = arith.constant 0 : index
    %get3A_10 = arith.constant 0 : index
    %get3A_11 = vector.load %arg4[%get3A_9, %get3A_10] : memref<256x1xf32, #tpu.memory_space<vmem>>, vector<256x1xf32>
    %mul3A = vector.broadcast %get3A_11 : vector<256x1xf32> to vector<256x768xf32>
    %mul3A_12 = arith.mulf %select_n3A, %mul3A : vector<256x768xf32>
    %get3A_13 = arith.constant 0 : index
    %get3A_14 = arith.constant 0 : index
    %get3A_15 = vector.load %arg5[%get3A_13, %get3A_14] : memref<256x1xf32, #tpu.memory_space<vmem>>, vector<256x1xf32>
    %gt3A_16 = arith.constant 0.000000e+00 : f32
    %gt3A_17 = vector.broadcast %gt3A_16 : f32 to vector<256x1xf32>
    %gt3A_18 = arith.cmpf ogt, %get3A_15, %gt3A_17 : vector<256x1xf32>
    %get3A_19 = arith.constant 0 : index
    %get3A_20 = arith.constant 0 : index
    %get3A_21 = vector.load %arg3[%get3A_19, %get3A_20] : memref<256x768xf32, #tpu.memory_space<vmem>>, vector<256x768xf32>
    %jit3A_22 = arith.constant 0.000000e+00 : f32
    %broadcast_in_dim3A_23 = vector.shape_cast %gt3A_18 : vector<256x1xi1> to vector<256x1xi1>
    %broadcast_in_dim3A_24 = vector.broadcast %broadcast_in_dim3A_23 : vector<256x1xi1> to vector<256x768xi1>
    %broadcast_in_dim3A_25 = vector.broadcast %jit3A_22 : f32 to vector<256x768xf32>
    %select_n3A_26 = arith.select %broadcast_in_dim3A_24, %get3A_21, %broadcast_in_dim3A_25 : vector<256x768xi1>, vector<256x768xf32>
    %get3A_27 = arith.constant 0 : index
    %get3A_28 = arith.constant 0 : index
    %get3A_29 = vector.load %arg5[%get3A_27, %get3A_28] : memref<256x1xf32, #tpu.memory_space<vmem>>, vector<256x1xf32>
    %mul3A_30 = vector.broadcast %get3A_29 : vector<256x1xf32> to vector<256x768xf32>
    %mul3A_31 = arith.mulf %select_n3A_26, %mul3A_30 : vector<256x768xf32>
    %get3A_32 = arith.constant 0 : index
    %get3A_33 = arith.constant 0 : index
    %get3A_34 = vector.load %arg1[%get3A_32, %get3A_33] : memref<256x768xf32, #tpu.memory_space<vmem>>, vector<256x768xf32>
    %add3A = arith.addf %get3A_34, %mul3A_12 : vector<256x768xf32>
    %add3A_35 = arith.addf %add3A, %mul3A_31 : vector<256x768xf32>
    %swap3A = arith.constant 0 : index
    %swap3A_36 = arith.constant 0 : index
    %swap3A_37 = vector.load %arg6[%swap3A, %swap3A_36] : memref<256x768xf32, #tpu.memory_space<vmem>>, vector<256x768xf32>
    tpu.vector_store %arg6[%swap3A, %swap3A_36], %add3A_35 {strides = array<i32>} : memref<256x768xf32, #tpu.memory_space<vmem>>, vector<256x768xf32>,
    return
  }
  func.func @transform_0(%arg0: i32) -> (i32, i32) {
    %c0_i32 = arith.constant 0 : i32
    %c0_i32_0 = arith.constant 0 : i32
    return %arg0, %c0_i32 : i32, i32
  }
  func.func @transform_1(%arg0: i32) -> (i32, i32) {
    %c0_i32 = arith.constant 0 : i32
    %c0_i32_0 = arith.constant 0 : i32
    return %arg0, %c0_i32 : i32, i32
  }
  func.func @transform_2(%arg0: i32) -> (i32, i32) {
    %add3A = arith.constant 8 : i32
    %add3A_0 = arith.addi %arg0, %add3A : i32
    %c0_i32 = arith.constant 0 : i32
    %c0_i32_1 = arith.constant 0 : i32
    return %add3A_0, %c0_i32 : i32, i32
  }
  func.func @transform_3(%arg0: i32) -> (i32, i32) {
    %c0_i32 = arith.constant 0 : i32
    %c0_i32_0 = arith.constant 0 : i32
    return %arg0, %c0_i32 : i32, i32
  }
  func.func @transform_4(%arg0: i32) -> (i32, i32) {
    %c0_i32 = arith.constant 0 : i32
    %c0_i32_0 = arith.constant 0 : i32
    return %arg0, %c0_i32 : i32, i32
  }
  func.func @transform_5(%arg0: i32) -> (i32, i32) {
    %c0_i32 = arith.constant 0 : i32
    %c0_i32_0 = arith.constant 0 : i32
    return %arg0, %c0_i32 : i32, i32
  }
}

</mosaic_0001>

<sc_bundles>
// kernel: kernel.10.cloned.1.call-start
scs
__scs_entry_jumppad:
0x0: {  	(pc) =	sbr.rel $0x88, $3  }
0x1: {  	(tag) =	ssettag $0x0;
	lr =	simm.s32 $0x1  }
0x2: {  	[smem:$0x3F97] =	sst lr;
	_ =	strace $0xD0000000  }
0x3: {  	_ = 	snop  }
0x4: {  	_ = 	snop  }
0x5: {  	_ = 	snop  }
0x6: {  	_ = 	snop  }
0x7: {  	_ = 	snop  }
__scs_overlays_trampoline_lowered:
0x8: {  	[smem:$0x3FA6] =	sst s0  }
0x9: {  	[smem:$0x3FA7] =	sst s1  }
0xa: {  	[smem:$0x3FA8] =	sst s2  }
0xb: {  	[smem:$0x3FA9] =	sst s3  }
0xc: {  	[smem:$0x3FAA] =	sst s4  }
0xd: {  	[smem:$0x3FAB] =	sst s5  }
0xe: {  	[smem:$0x3FAC] =	sst s6  }
0xf: {  	[smem:$0x3FAD] =	sst s7  }
0x10: {  	[smem:$0x3FAE] =	sst s8  }
0x11: {  	[smem:$0x3FAF] =	sst s9;
	s0 =	simm.s32 @!p0 $0x0  }
0x12: {  	s1 =	sld [smem:$0x3F95];
	s0 =	simm.s32 @p0 $0x1  }
0x13: {  	[smem:$0x3FB0] =	sst s0;
	s0 =	simm.s32 @!p1 $0x0  }
0x14: {  	s2 =	sld [smem:$0x3F94];
	s0 =	simm.s32 @p1 $0x1  }
0x15: {  	[smem:$0x3FB1] =	sst s0;
	s0 =	simm.s32 @!p2 $0x0  }
0x16: {  	s3 =	sld [smem:$0x3FDB];
	s0 =	simm.s32 @p2 $0x1  }
0x17: {  	s4 =	simm.s32 $0x1BF5;
	[smem:$0x3FB3] =	sst s0  }
0x18: {  	s0 =	sld [smem:$0x3F96];
	_ =	swait.ge [sflag:s4], $0x0  }
0x19: {  	s7 =	sld [smem:$0x3F97]  }
0x1a: {  	s8 =	sadd.s32 $0xFFFFE003, lr  }
0x1b: {  	s9 =	sadd.s32 $0xFFFFFEF7, lr;
	s5 =	simm.s32 $0xFFFFFFFF;
	p2 =	slt.u32 s8, $0xFFFFF086  }
0x1c: {  	p1 =	slt.u32 s9, $0xF7A;
	s5 =	simm.s32 @!p2 $0x0  }
0x1d: {  	s5 =	simm.s32 @p1 $0x1;
	p0 =	seq.s32 s7, s2  }
0x1e: {  	s7 =	smul.u32 @!p0 $0xF7A, s2;
	p2 =	seq.s32 @!p0 s5, $0x0  }
0x1f: {  	s9 =	smul.u32 $0xF7A, s1;
	s8 =	simm.s32 @!p0 $0x1BF5;
	p2 =	por !p2, p0  }
0x20: {  	[sflag:s8] =	ssyncset.s32 @!p0 $0xFFFFF086;
	s6 =	sadd.s32 @!p0 s3, s7;
	s7 =	simm.s32 @!p0 $0x108  }
0x21: {  	s3 =	sadd.s32 s3, s9;
	s6 =	sadd.s32 @!p0 $0x88, s6;
	s7 =	simm.s32 @p2 $0x1082  }
0x22: {  	[simem:s7], [sflag:s8] =	dma.local @!p0 [hbm:s6], $0xF7A  }
0x23: {  	s9 =	sor.u32 $0xD0000000, s2;
	s6 =	simm.s32 $0x108;
	_ =	swait.ge @!p0 [sflag:s8], $0x0  }
0x24: {  	s3 =	sadd.s32 $0x88, s3;
	s6 =	simm.s32 @!p1 $0x1082;
	[sflag:s4] =	ssyncset.s32 $0xFFFFF086  }
0x25: {  	[simem:s6], [sflag:s4] =	dma.local [hbm:s3], $0xF7A  }
0x26: {  	[smem:$0x3F97] =	sst s1;
	(tag) =	ssettag s2;
	_ =	strace s9  }
0x27: {  	s1 =	sld [smem:$0x3FA7]  }
0x28: {  	s2 =	sld [smem:$0x3FA8]  }
0x29: {  	s4 =	sld [smem:$0x3FAA]  }
0x2a: {  	p0 =	seq.s32 s5, $0x0;
	s5 =	sld [smem:$0x3FAB]  }
0x2b: {  	s6 =	sld [smem:$0x3FAC]  }
0x2c: {  	s7 =	sld [smem:$0x3FAD]  }
0x2d: {  	s3 =	simm.s32 $0x108;
	s8 =	sld [smem:$0x3FAE]  }
0x2e: {  	s3 =	simm.s32 @!p0 $0x1082;
	s9 =	sld [smem:$0x3FAF]  }
0x2f: {  	lr =	sadd.s32 s0, s3;
	s0 =	sld [smem:$0x3FA6]  }
0x30: {  	s3 =	sld [smem:$0x3FA9]  }
0x31: {  	[smem:$0x3FB2] =	sst s10  }
0x32: {  	s10 =	sld [smem:$0x3FB0];
	_ =	sdelay $0x3  }
0x33: {  	p0 =	seq.s32 s10, $0x1;
	s10 =	sld [smem:$0x3FB2];
	_ =	sdelay $0x3  }
0x34: {  	[smem:$0x3FB2] =	sst s10  }
0x35: {  	s10 =	sld [smem:$0x3FB1];
	_ =	sdelay $0x3  }
0x36: {  	p1 =	seq.s32 s10, $0x1;
	s10 =	sld [smem:$0x3FB2];
	_ =	sdelay $0x3  }
0x37: {  	[smem:$0x3FB2] =	sst s10  }
0x38: {  	s10 =	sld [smem:$0x3FB3]  }
0x39: {  	_ = 	snop;
	(pc) =	sbr.ind lr, $3  }
0x3a: {  	_ = 	snop  }
0x3b: {  	_ = 	snop  }
0x3c: {  	p2 =	seq.s32 s10, $0x1;
	s10 =	sld [smem:$0x3FB2]  }
0x3d: {  	_ =	shalt  }
0x3e: {  	_ =	shalt  }
0x3f: {  	_ =	shalt  }
0x40: {  	_ =	shalt  }
0x41: {  	_ =	shalt  }
0x42: {  	_ =	shalt  }
0x43: {  	_ =	shalt  }
0x44: {  	_ =	shalt  }
0x45: {  	_ =	shalt  }
0x46: {  	_ =	shalt  }
0x47: {  	_ =	shalt  }
0x48: {  	_ =	shalt  }
0x49: {  	_ =	shalt  }
0x4a: {  	_ =	shalt  }
0x4b: {  	_ =	shalt  }
0x4c: {  	_ =	shalt  }
0x4d: {  	_ =	shalt  }
0x4e: {  	_ =	shalt  }
0x4f: {  	_ =	shalt  }
0x50: {  	_ =	shalt  }
0x51: {  	_ =	shalt  }
0x52: {  	_ =	shalt  }
0x53: {  	_ =	shalt  }
0x54: {  	_ =	shalt  }
0x55: {  	_ =	shalt  }
0x56: {  	_ =	shalt  }
0x57: {  	_ =	shalt  }
0x58: {  	_ =	shalt  }
0x59: {  	_ =	shalt  }
0x5a: {  	_ =	shalt  }
0x5b: {  	_ =	shalt  }
0x5c: {  	_ =	shalt  }
0x5d: {  	_ =	shalt  }
0x5e: {  	_ =	shalt  }
0x5f: {  	_ =	shalt  }
0x60: {  	_ =	shalt  }
0x61: {  	_ =	shalt  }
0x62: {  	_ =	shalt  }
0x63: {  	_ =	shalt  }
0x64: {  	_ =	shalt  }
0x65: {  	_ =	shalt  }
0x66: {  	_ =	shalt  }
0x67: {  	_ =	shalt  }
0x68: {  	_ =	shalt  }
0x69: {  	_ =	shalt  }
0x6a: {  	_ =	shalt  }
0x6b: {  	_ =	shalt  }
0x6c: {  	_ =	shalt  }
0x6d: {  	_ =	shalt  }
0x6e: {  	_ =	shalt  }
0x6f: {  	_ =	shalt  }
0x70: {  	_ =	shalt  }
0x71: {  	_ =	shalt  }
0x72: {  	_ =	shalt  }
0x73: {  	_ =	shalt  }
0x74: {  	_ =	shalt  }
0x75: {  	_ =	shalt  }
0x76: {  	_ =	shalt  }
0x77: {  	_ =	shalt  }
0x78: {  	_ =	shalt  }
0x79: {  	_ =	shalt  }
0x7a: {  	_ =	shalt  }
0x7b: {  	_ =	shalt  }
0x7c: {  	_ =	shalt  }
0x7d: {  	_ =	shalt  }
0x7e: {  	_ =	shalt  }
0x7f: {  	_ =	shalt  }
0x80: {  	_ =	shalt  }
0x81: {  	_ =	shalt  }
0x82: {  	_ =	shalt  }
0x83: {  	_ =	shalt  }
0x84: {  	_ =	shalt  }
0x85: {  	_ =	shalt  }
0x86: {  	_ =	shalt  }
0x87: {  	_ =	shalt  }
.Lfunc_end0:
.L_simem_size_0:
called_computation_lowered:
.L_overlay_start_0:
0x88: {  	s2 =	sld [smem:$0x3FD9]  }
0x89: {  	s3 =	sld [smem:$0x3FFE];
	_ =	sdelay $0x1  }
0x8a: {  	s1 =	srdreg.scid  }
0x8b: {  	s0 =	sand.u32 $0x1, s1  }
0x8c: {  	s14 =	sshll.u32 s0, $0xA;
	s2 =	sadd.s32 s3, s2  }
0x8d: {  	s2 =	sadd.s32 s2, s14  }
0x8e: {  	[smem:$0x3FBE] =	sst s2  }
0x8f: {  	_ = 	snop  }
0x90: {  	s2 =	sld [smem:$0x3FD0];
	_ =	sdelay $0x2  }
0x91: {  	s15 =	simm.s32 $0xA;
	s4 =	simm.s32 $0x10  }
0x92: {  	[smem:s4], [sflag:s15] =	dma.local [hbm:s2], $0x1  }
0x93: {  	_ =	swait.eq [sflag:s15], $0x1  }
0x94: {  	[sflag:s15] =	ssyncset.done $0x0  }
0x95: {  	[sflag:s15] =	ssyncadd.s32 $0xFFFFFFFF  }
0x96: {  	s16 =	sld [smem:$0x10];
	(tm) =	ssettm $0x1  }
0x97: {  	s17 =	sld [smem:$0x3FFB];
	_ =	sdelay $0x3  }
0x98: {  	_ =	strace s17  }
0x99: {  	s3 =	sld [smem:$0x3FFC];
	_ =	sdelay $0x3  }
0x9a: {  	_ =	strace s3  }
0x9b: {  	s3 =	sld [smem:$0x3FFD];
	_ =	sdelay $0x3  }
0x9c: {  	_ =	strace s3  }
0x9d: {  	_ =	strace $0x8FFFFFFF  }
0x9e: {  	s18 =	sld [smem:$0x3FDB];
	_ =	sdelay $0x1  }
0x9f: {  	s19 =	simm.s32 $_scs_section_size  }
0xa0: {  	s5 =	simm.s32 $_size__tile_overlayer_lowered;
	s6 =	simm.s32 $_tile_overlayer_lowered  }
0xa1: {  	s22 =	simm.s32 $0x1BFF;
	s21 =	sshll.u32 s6, $0x1;
	s3 =	sadd.s32 s19, s18  }
0xa2: {  	s7 =	simm.s32 $0x0;
	s20 =	sshll.u32 s5, $0x1;
	s5 =	sadd.s32 s21, s3  }
0xa3: {  	[timem:s7], [sflag:s22] =	dma.local [hbm:s5], s20  }
0xa4: {  	_ =	swait.ge [sflag:s22], s20  }
0xa5: {  	s4 =	ssub.s32 $0x0, s20;
	[sflag:s22] =	ssyncset.done $0x0  }
0xa6: {  	[sflag:s22] =	ssyncadd.s32 s4;
	_ =	sdelay $0x1  }
0xa7: {  	s23 =	simm.s32 $0x1B8B  }
0xa8: {  	_ =	swait.ge [sflag:s23], $0x1  }
0xa9: {  	[sflag:s23] =	ssyncset.done $0x0  }
0xaa: {  	s25 =	simm.s32 $0x1B8E;
	s24 =	sld [smem:$0x3FFE];
	[sflag:s23] =	ssyncadd.s32 $0xFFFFFFFF  }
0xab: {  	s26 =	simm.s32 $execute0_lowered;
	[smem:$0x3FD2] =	sst s25  }
0xac: {  	s5 =	sshll.u32 s26, $0x1;
	_ =	strace $0x80000046;
	[dreg:$0x1] =	wrdreg $0xFFFFFFFF  }
0xad: {  	s28 =	simm.s32 $_size_execute0_lowered;
	s3 =	sadd.s32 s3, s5;
	[dreg:$0x0] =	wrdreg $0x0  }
0xae: {  	s5 =	sshll.u32 s28, $0x1;
	[dreg:$0x2] =	wrdreg s3  }
0xaf: {  	[dreg:$0x3] =	wrdreg s5  }
0xb0: {  	[dreg:$0x4] =	wrdreg $0xC0  }
0xb1: {  	_ =	task [dreg:s7], $0x5FFFF  }
0xb2: {  	[dreg:$0x1] =	wrdreg $0xFFFFFFFF  }
0xb3: {  	[dreg:$0x0] =	wrdreg $0x60  }
0xb4: {  	[dreg:$0x2] =	wrdreg s16  }
0xb5: {  	[dreg:$0x3] =	wrdreg s24  }
0xb6: {  	[dreg:$0x4] =	wrdreg $0x9  }
0xb7: {  	_ =	task.clear_ibuf [dreg:s7], $0x5FFFF;
	_ =	strace $0x90000046  }
0xb8: {  	s29 =	simm.s32 $0x9;
	_ =	strace $0x80000048  }
0xb9: {  	_ =	swait.ge [sflag:s29], $0x1  }
0xba: {  	[sflag:s29] =	ssyncadd.s32 $0xFFFFFFFF  }
0xbb: {  	_ =	strace $0x90000048  }
0xbc: {  	_ =	sfence  }
0xbd: {  	s30 =	sld [smem:$0x0];
	_ =	sdelay $0x2  }
0xbe: {  	s31 =	sshll.u32 s1, $0xD;
	s1 =	sshrl.u32 s1, $0x2  }
0xbf: {  	s3 =	sand.u32 $0x4000, s31;
	s1 =	sadd.s32 s1, s30  }
0xc0: {  	s0 =	sor.u32 s3, s0;
	s1 =	sshll.u32 s1, $0x11  }
0xc1: {  	s0 =	sor.u32 s1, s0  }
0xc2: {  	s0 =	sadd.s32 $0x8F2B, s0  }
0xc3: {  	[sflag:s0] =	ssyncadd.remote.s32 $0x1  }
0xc4: {  	_ =	sfence.sel $0xFFFF  }
0xc5: {  	[dreg:$0x0] =	wrdreg $0xFFFFFFFF;
	(pc) =	sbr.abs _section_cstart, $3  }
0xc6: {  	[dreg:$0x1] =	wrdreg $0xFFFFFFFF  }
0xc7: {  	_ =	task.clear_ibuf [dreg:s7], $0x2FFFF;
	_ =	strace $0x9FFFFFFF  }
0xc8: {  	(tm) =	ssettm $0x7FFFFFFF  }
0xc9: {  	_ =	shalt  }
tec
execute0_lowered:
.L_overlay_start_1:
0x0: {  	(tag) =	ssettag $0x1  }
0x1: {  	s1 =	srdreg.scid  }
0x2: {  	s0 =	stileid.u32;
	s1 =	sand.u32 $0x1, s1  }
0x3: {  	s3 =	rddreg [dreg:$0x0];
	s2 =	sshll.u32 s0, $0x5;
	s4 =	sshll.u32 s1, $0x4  }
0x4: {  	s5 =	rddreg [dreg:$0x1];
	s4 =	sor.u32 s4, s2;
	s2 =	simm.s32 $0x0  }
0x5: {  	s25 =	simm.s32 $0x880;
	[smem:$0x7FF] =	sst s2  }
0x6: {  	s26 =	simm.s32 $0x1080;
	_ =	strace $0x80000047;
	[dreg:$0x5] =	wrdreg s25  }
0x7: {  	s0 =	simm.s32 $0x1880;
	[dreg:$0x6] =	wrdreg s26  }
0x8: {  	s7 =	simm.s32 $0x3080;
	[dreg:$0x7] =	wrdreg s0  }
0x9: {  	s8 =	simm.s32 $0x3880;
	[dreg:$0xa] =	wrdreg s7  }
0xa: {  	s9 =	simm.s32 $0x4080;
	[dreg:$0xb] =	wrdreg s8  }
0xb: {  	s10 =	simm.s32 $0x4880;
	[dreg:$0xc] =	wrdreg s9  }
0xc: {  	s11 =	simm.s32 $0x5080;
	s12 =	simm.s32 $0x5880;
	[dreg:$0xd] =	wrdreg s10  }
0xd: {  	s13 =	simm.s32 $0x6080;
	s14 =	simm.s32 $0x6880;
	[dreg:$0xe] =	wrdreg s11  }
0xe: {  	s15 =	simm.s32 $0x7080;
	s16 =	simm.s32 $0x7880;
	[dreg:$0xf] =	wrdreg s12  }
0xf: {  	s17 =	simm.s32 $0x8080;
	s18 =	simm.s32 $0x8880;
	[dreg:$0x10] =	wrdreg s13  }
0x10: {  	s19 =	simm.s32 $0x9080;
	s21 =	simm.s32 $0x9880;
	[dreg:$0x11] =	wrdreg s14  }
0x11: {  	s22 =	simm.s32 $0xA080;
	s23 =	simm.s32 $0xA880;
	[dreg:$0x12] =	wrdreg s15  }
0x12: {  	s24 =	simm.s32 $0xB880;
	s28 =	simm.s32 $0x16080;
	[dreg:$0x13] =	wrdreg s16  }
0x13: {  	s29 =	simm.s32 $0x16880;
	s30 =	simm.s32 $0x17080;
	[dreg:$0x14] =	wrdreg s17  }
0x14: {  	s31 =	simm.s32 $0x17880;
	s1 =	ssub.s32 $0x2, s1;
	[dreg:$0x15] =	wrdreg s18  }
0x15: {  	s20 =	sshrl.u32 s1, $0x1;
	s6 =	sand.u32 $0xF0, s4;
	[dreg:$0x16] =	wrdreg s19  }
0x16: {  	s4 =	sadd.s32 s4, s5;
	s1 =	ssub.s32 s1, s20;
	[dreg:$0x17] =	wrdreg s21  }
0x17: {  	s20 =	simm.s32 $0x12880;
	s6 =	smul.u32 $0x300, s6;
	[dreg:$0x18] =	wrdreg s22  }
0x18: {  	s4 =	sadd.s32 $0x1600, s4;
	[dreg:$0x19] =	wrdreg s23;
	s7 =	simm.s32 $0xB080  }
0x19: {  	[dreg:$0x1b] =	wrdreg s24;
	s25 =	simm.s32 $0xC080;
	s8 =	simm.s32 $0x80  }
0x1a: {  	s26 =	simm.s32 $0xC880;
	s10 =	simm.s32 $0xD880;
	s11 =	simm.s32 $0xE080  }
0x1b: {  	s12 =	simm.s32 $0xE880;
	s13 =	simm.s32 $0xF080;
	s14 =	simm.s32 $0xF880  }
0x1c: {  	s15 =	simm.s32 $0x10080;
	s16 =	simm.s32 $0x10880;
	s17 =	simm.s32 $0x11080  }
0x1d: {  	s18 =	simm.s32 $0x11880;
	s19 =	simm.s32 $0x12080;
	[dreg:$0x3] =	wrdreg s4  }
0x1e: {  	s21 =	simm.s32 $0x13080;
	s22 =	simm.s32 $0x13880;
	[dreg:$0x1a] =	wrdreg s7  }
0x1f: {  	s23 =	simm.s32 $0x14080;
	s24 =	simm.s32 $0x14880;
	[dreg:$0x1c] =	wrdreg s25  }
0x20: {  	s4 =	simm.s32 $0x2080;
	s7 =	simm.s32 $0x2;
	[dreg:$0x1d] =	wrdreg s26  }
0x21: {  	s25 =	simm.s32 $0x15080;
	s3 =	sadd.s32 s3, s6;
	[dreg:$0x8] =	wrdreg s4  }
0x22: {  	v2 =	vlaneseq.u32;
	s26 =	simm.s32 $0x15880;
	s6 =	simm.s32 $0x2880;
	[dreg:$0x4] =	wrdreg s3  }
0x23: {  	vm0 =	vmmov $0xffff;
	v1 =	vshrl.u32 v2, $0x3;
	s4 =	sadd.s32 $0x1900, s5;
	[dreg:$0x9] =	wrdreg s6;
	s3 =	sadd.s32 $0x1800, s5  }
0x24: {  	v0 =	vand.u32 $0x7, v2;
	v2 =	vor.u32 $0x8, v2;
	v1 =	vmul.u32 $0x8, v1;
	s5 =	sadd.s32 $0x1A00, s5;
	s6 =	smax.u32 s1, $0x1;
	s1 =	simm.s32 $0x1  }
.LBB2_1:
0x25: {  	s0 =	rddreg [dreg:$0x3]  }
0x26: {  	[tilespmem:s2], [sflag:$0x2] =	stream.linear.gather [hbm4b:s0+s2], $0x80, $0x38;
	[tilespmem:$0x18080] =	vst v63  }
0x27: {  	_ =	swait.ge [sflag:s7], $0x80  }
0x28: {  	[sflag:s7] =	ssyncset.done $0x0  }
0x29: {  	s9 =	rddreg [dreg:$0x4];
	[sflag:s7] =	ssyncadd.s32 $0xFFFFFF80  }
0x2a: {  	[tilespmem:s8], [sflag:$0x2] =	stream.linear.gather [hbm4b:s9+s2], $0x18000, $0x38;
	[tilespmem:$0x18080] =	vst v63  }
0x2b: {  	_ =	swait.ge [sflag:s7], $0x18000  }
0x2c: {  	[sflag:s7] =	ssyncset.done $0x0  }
0x2d: {  	[sflag:s7] =	ssyncadd.s32 $0xFFFE8000  }
0x2e: {  	v3 =	vld [tilespmem:$0x0];
	_ =	sdelay $0x4  }
0x2f: {  	v4 =	vshrl.u32 v3, $0x3  }
0x30: {  	v4 =	vmul.u32 $0x30, v4  }
0x31: {  	v3 =	vand.u32 $0x7, v3  }
0x32: {  	v3 =	vor.u32 v3, v4  }
0x33: {  	v4 =	vperm.xlane v3, v0;
	_ =	sdelay $0x1  }
0x34: {  	v4 =	vadd.s32 v1, v4;
	_ =	sdelay $0x3  }
0x35: {  	v3 =	vperm.xlane v3, v2  }
0x36: {  	[hbm4b:s3+s2] =	stream.indirect_vreg.scatter [tilespmem:s8], [sflag:$0x1], $0x80, v4, vm0, $0xb8;
	[tilespmem:$0x18080] =	vst v63  }
0x37: {  	s0 =	rddreg [dreg:$0x5];
	v3 =	vadd.s32 v1, v3  }
0x38: {  	[hbm4b:s4+s2] =	stream.indirect_vreg.scatter [tilespmem:s0], [sflag:$0x1], $0x80, v4, vm0, $0xb8;
	[tilespmem:$0x18080] =	vst v63  }
0x39: {  	s9 =	rddreg [dreg:$0x6]  }
0x3a: {  	[hbm4b:s5+s2] =	stream.indirect_vreg.scatter [tilespmem:s9], [sflag:$0x1], $0x80, v4, vm0, $0xb8;
	[tilespmem:$0x18080] =	vst v63  }
0x3b: {  	s0 =	rddreg [dreg:$0x7]  }
0x3c: {  	[hbm4b:s3+s2] =	stream.indirect_vreg.scatter [tilespmem:s0], [sflag:$0x1], $0x80, v3, vm0, $0xb8;
	[tilespmem:$0x18080] =	vst v63  }
0x3d: {  	s9 =	rddreg [dreg:$0x8]  }
0x3e: {  	[hbm4b:s4+s2] =	stream.indirect_vreg.scatter [tilespmem:s9], [sflag:$0x1], $0x80, v3, vm0, $0xb8;
	[tilespmem:$0x18080] =	vst v63  }
0x3f: {  	s0 =	rddreg [dreg:$0x9]  }
0x40: {  	[hbm4b:s5+s2] =	stream.indirect_vreg.scatter [tilespmem:s0], [sflag:$0x1], $0x80, v3, vm0, $0xb8;
	[tilespmem:$0x18080] =	vst v63  }
0x41: {  	v3 =	vld [tilespmem:$0x10];
	_ =	sdelay $0x4  }
0x42: {  	v57 =	vshrl.u32 v3, $0x3  }
0x43: {  	v4 =	vmul.u32 $0x30, v57  }
0x44: {  	v3 =	vand.u32 $0x7, v3  }
0x45: {  	v3 =	vor.u32 v3, v4  }
0x46: {  	v4 =	vperm.xlane v3, v0;
	_ =	sdelay $0x1  }
0x47: {  	v4 =	vadd.s32 v1, v4;
	_ =	sdelay $0x3  }
0x48: {  	s0 =	rddreg [dreg:$0xa];
	v3 =	vperm.xlane v3, v2  }
0x49: {  	[hbm4b:s3+s2] =	stream.indirect_vreg.scatter [tilespmem:s0], [sflag:$0x1], $0x80, v4, vm0, $0xb8;
	[tilespmem:$0x18080] =	vst v63  }
0x4a: {  	s9 =	rddreg [dreg:$0xb];
	v3 =	vadd.s32 v1, v3  }
0x4b: {  	[hbm4b:s4+s2] =	stream.indirect_vreg.scatter [tilespmem:s9], [sflag:$0x1], $0x80, v4, vm0, $0xb8;
	[tilespmem:$0x18080] =	vst v63  }
0x4c: {  	s0 =	rddreg [dreg:$0xc]  }
0x4d: {  	[hbm4b:s5+s2] =	stream.indirect_vreg.scatter [tilespmem:s0], [sflag:$0x1], $0x80, v4, vm0, $0xb8;
	[tilespmem:$0x18080] =	vst v63  }
0x4e: {  	s9 =	rddreg [dreg:$0xd]  }
0x4f: {  	[hbm4b:s3+s2] =	stream.indirect_vreg.scatter [tilespmem:s9], [sflag:$0x1], $0x80, v3, vm0, $0xb8;
	[tilespmem:$0x18080] =	vst v63  }
0x50: {  	s0 =	rddreg [dreg:$0xe]  }
0x51: {  	[hbm4b:s4+s2] =	stream.indirect_vreg.scatter [tilespmem:s0], [sflag:$0x1], $0x80, v3, vm0, $0xb8;
	[tilespmem:$0x18080] =	vst v63  }
0x52: {  	s9 =	rddreg [dreg:$0xf]  }
0x53: {  	[hbm4b:s5+s2] =	stream.indirect_vreg.scatter [tilespmem:s9], [sflag:$0x1], $0x80, v3, vm0, $0xb8;
	[tilespmem:$0x18080] =	vst v63  }
0x54: {  	v3 =	vld [tilespmem:$0x20];
	_ =	sdelay $0x4  }
0x55: {  	v58 =	vshrl.u32 v3, $0x3  }
0x56: {  	v4 =	vmul.u32 $0x30, v58  }
0x57: {  	v3 =	vand.u32 $0x7, v3  }
0x58: {  	v3 =	vor.u32 v3, v4  }
0x59: {  	v4 =	vperm.xlane v3, v0;
	_ =	sdelay $0x1  }
0x5a: {  	v4 =	vadd.s32 v1, v4;
	_ =	sdelay $0x3  }
0x5b: {  	s0 =	rddreg [dreg:$0x10];
	v3 =	vperm.xlane v3, v2  }
0x5c: {  	[hbm4b:s3+s2] =	stream.indirect_vreg.scatter [tilespmem:s0], [sflag:$0x1], $0x80, v4, vm0, $0xb8;
	[tilespmem:$0x18080] =	vst v63  }
0x5d: {  	s9 =	rddreg [dreg:$0x11];
	v3 =	vadd.s32 v1, v3  }
0x5e: {  	[hbm4b:s4+s2] =	stream.indirect_vreg.scatter [tilespmem:s9], [sflag:$0x1], $0x80, v4, vm0, $0xb8;
	[tilespmem:$0x18080] =	vst v63  }
0x5f: {  	s0 =	rddreg [dreg:$0x12]  }
0x60: {  	[hbm4b:s5+s2] =	stream.indirect_vreg.scatter [tilespmem:s0], [sflag:$0x1], $0x80, v4, vm0, $0xb8;
	[tilespmem:$0x18080] =	vst v63  }
0x61: {  	s9 =	rddreg [dreg:$0x13]  }
0x62: {  	[hbm4b:s3+s2] =	stream.indirect_vreg.scatter [tilespmem:s9], [sflag:$0x1], $0x80, v3, vm0, $0xb8;
	[tilespmem:$0x18080] =	vst v63  }
0x63: {  	s0 =	rddreg [dreg:$0x14]  }
0x64: {  	[hbm4b:s4+s2] =	stream.indirect_vreg.scatter [tilespmem:s0], [sflag:$0x1], $0x80, v3, vm0, $0xb8;
	[tilespmem:$0x18080] =	vst v63  }
0x65: {  	s9 =	rddreg [dreg:$0x15]  }
0x66: {  	[hbm4b:s5+s2] =	stream.indirect_vreg.scatter [tilespmem:s9], [sflag:$0x1], $0x80, v3, vm0, $0xb8;
	[tilespmem:$0x18080] =	vst v63  }
0x67: {  	v3 =	vld [tilespmem:$0x30];
	_ =	sdelay $0x4  }
0x68: {  	v59 =	vshrl.u32 v3, $0x3  }
0x69: {  	v4 =	vmul.u32 $0x30, v59  }
0x6a: {  	v3 =	vand.u32 $0x7, v3  }
0x6b: {  	v3 =	vor.u32 v3, v4  }
0x6c: {  	v4 =	vperm.xlane v3, v0;
	_ =	sdelay $0x1  }
0x6d: {  	v4 =	vadd.s32 v1, v4;
	_ =	sdelay $0x3  }
0x6e: {  	s0 =	rddreg [dreg:$0x16];
	v3 =	vperm.xlane v3, v2  }
0x6f: {  	[hbm4b:s3+s2] =	stream.indirect_vreg.scatter [tilespmem:s0], [sflag:$0x1], $0x80, v4, vm0, $0xb8;
	[tilespmem:$0x18080] =	vst v63  }
0x70: {  	s9 =	rddreg [dreg:$0x17];
	v3 =	vadd.s32 v1, v3  }
0x71: {  	[hbm4b:s4+s2] =	stream.indirect_vreg.scatter [tilespmem:s9], [sflag:$0x1], $0x80, v4, vm0, $0xb8;
	[tilespmem:$0x18080] =	vst v63  }
0x72: {  	s0 =	rddreg [dreg:$0x18]  }
0x73: {  	[hbm4b:s5+s2] =	stream.indirect_vreg.scatter [tilespmem:s0], [sflag:$0x1], $0x80, v4, vm0, $0xb8;
	[tilespmem:$0x18080] =	vst v63  }
0x74: {  	s9 =	rddreg [dreg:$0x19]  }
0x75: {  	[hbm4b:s3+s2] =	stream.indirect_vreg.scatter [tilespmem:s9], [sflag:$0x1], $0x80, v3, vm0, $0xb8;
	[tilespmem:$0x18080] =	vst v63  }
0x76: {  	s0 =	rddreg [dreg:$0x1a]  }
0x77: {  	[hbm4b:s4+s2] =	stream.indirect_vreg.scatter [tilespmem:s0], [sflag:$0x1], $0x80, v3, vm0, $0xb8;
	[tilespmem:$0x18080] =	vst v63  }
0x78: {  	s9 =	rddreg [dreg:$0x1b]  }
0x79: {  	[hbm4b:s5+s2] =	stream.indirect_vreg.scatter [tilespmem:s9], [sflag:$0x1], $0x80, v3, vm0, $0xb8;
	[tilespmem:$0x18080] =	vst v63  }
0x7a: {  	v3 =	vld [tilespmem:$0x40];
	_ =	sdelay $0x4  }
0x7b: {  	v60 =	vshrl.u32 v3, $0x3  }
0x7c: {  	v4 =	vmul.u32 $0x30, v60  }
0x7d: {  	v3 =	vand.u32 $0x7, v3  }
0x7e: {  	v3 =	vor.u32 v3, v4  }
0x7f: {  	v4 =	vperm.xlane v3, v0;
	_ =	sdelay $0x1  }
0x80: {  	v4 =	vadd.s32 v1, v4;
	_ =	sdelay $0x3  }
0x81: {  	s0 =	rddreg [dreg:$0x1c];
	v3 =	vperm.xlane v3, v2  }
0x82: {  	[hbm4b:s3+s2] =	stream.indirect_vreg.scatter [tilespmem:s0], [sflag:$0x1], $0x80, v4, vm0, $0xb8;
	[tilespmem:$0x18080] =	vst v63  }
0x83: {  	s9 =	rddreg [dreg:$0x1d];
	v3 =	vadd.s32 v1, v3  }
0x84: {  	[hbm4b:s4+s2] =	stream.indirect_vreg.scatter [tilespmem:s9], [sflag:$0x1], $0x80, v4, vm0, $0xb8;
	[tilespmem:$0x18080] =	vst v63  }
0x85: {  	s9 =	simm.s32 $0xD080  }
0x86: {  	[hbm4b:s5+s2] =	stream.indirect_vreg.scatter [tilespmem:s9], [sflag:$0x1], $0x80, v4, vm0, $0xb8;
	[tilespmem:$0x18080] =	vst v63  }
0x87: {  	_ = 	snop  }
0x88: {  	[hbm4b:s3+s2] =	stream.indirect_vreg.scatter [tilespmem:s10], [sflag:$0x1], $0x80, v3, vm0, $0xb8;
	[tilespmem:$0x18080] =	vst v63  }
0x89: {  	_ = 	snop  }
0x8a: {  	[hbm4b:s4+s2] =	stream.indirect_vreg.scatter [tilespmem:s11], [sflag:$0x1], $0x80, v3, vm0, $0xb8;
	[tilespmem:$0x18080] =	vst v63  }
0x8b: {  	_ = 	snop  }
0x8c: {  	[hbm4b:s5+s2] =	stream.indirect_vreg.scatter [tilespmem:s12], [sflag:$0x1], $0x80, v3, vm0, $0xb8;
	[tilespmem:$0x18080] =	vst v63  }
0x8d: {  	v3 =	vld [tilespmem:$0x50];
	_ =	sdelay $0x4  }
0x8e: {  	v61 =	vshrl.u32 v3, $0x3  }
0x8f: {  	v4 =	vmul.u32 $0x30, v61  }
0x90: {  	v3 =	vand.u32 $0x7, v3  }
0x91: {  	v3 =	vor.u32 v3, v4  }
0x92: {  	v4 =	vperm.xlane v3, v0;
	_ =	sdelay $0x1  }
0x93: {  	v4 =	vadd.s32 v1, v4;
	_ =	sdelay $0x3  }
0x94: {  	v3 =	vperm.xlane v3, v2  }
0x95: {  	[hbm4b:s3+s2] =	stream.indirect_vreg.scatter [tilespmem:s13], [sflag:$0x1], $0x80, v4, vm0, $0xb8;
	[tilespmem:$0x18080] =	vst v63  }
0x96: {  	v3 =	vadd.s32 v1, v3  }
0x97: {  	[hbm4b:s4+s2] =	stream.indirect_vreg.scatter [tilespmem:s14], [sflag:$0x1], $0x80, v4, vm0, $0xb8;
	[tilespmem:$0x18080] =	vst v63  }
0x98: {  	_ = 	snop  }
0x99: {  	[hbm4b:s5+s2] =	stream.indirect_vreg.scatter [tilespmem:s15], [sflag:$0x1], $0x80, v4, vm0, $0xb8;
	[tilespmem:$0x18080] =	vst v63  }
0x9a: {  	_ = 	snop  }
0x9b: {  	[hbm4b:s3+s2] =	stream.indirect_vreg.scatter [tilespmem:s16], [sflag:$0x1], $0x80, v3, vm0, $0xb8;
	[tilespmem:$0x18080] =	vst v63  }
0x9c: {  	_ = 	snop  }
0x9d: {  	[hbm4b:s4+s2] =	stream.indirect_vreg.scatter [tilespmem:s17], [sflag:$0x1], $0x80, v3, vm0, $0xb8;
	[tilespmem:$0x18080] =	vst v63  }
0x9e: {  	_ = 	snop  }
0x9f: {  	[hbm4b:s5+s2] =	stream.indirect_vreg.scatter [tilespmem:s18], [sflag:$0x1], $0x80, v3, vm0, $0xb8;
	[tilespmem:$0x18080] =	vst v63  }
0xa0: {  	v3 =	vld [tilespmem:$0x60];
	_ =	sdelay $0x4  }
0xa1: {  	v62 =	vshrl.u32 v3, $0x3  }
0xa2: {  	v4 =	vmul.u32 $0x30, v62  }
0xa3: {  	v3 =	vand.u32 $0x7, v3  }
0xa4: {  	v3 =	vor.u32 v3, v4  }
0xa5: {  	v4 =	vperm.xlane v3, v0;
	_ =	sdelay $0x1  }
0xa6: {  	v4 =	vadd.s32 v1, v4;
	_ =	sdelay $0x3  }
0xa7: {  	v3 =	vperm.xlane v3, v2  }
0xa8: {  	[hbm4b:s3+s2] =	stream.indirect_vreg.scatter [tilespmem:s19], [sflag:$0x1], $0x80, v4, vm0, $0xb8;
	[tilespmem:$0x18080] =	vst v63  }
0xa9: {  	v3 =	vadd.s32 v1, v3  }
0xaa: {  	[hbm4b:s4+s2] =	stream.indirect_vreg.scatter [tilespmem:s20], [sflag:$0x1], $0x80, v4, vm0, $0xb8;
	[tilespmem:$0x18080] =	vst v63  }
0xab: {  	_ = 	snop  }
0xac: {  	[hbm4b:s5+s2] =	stream.indirect_vreg.scatter [tilespmem:s21], [sflag:$0x1], $0x80, v4, vm0, $0xb8;
	[tilespmem:$0x18080] =	vst v63  }
0xad: {  	_ = 	snop  }
0xae: {  	[hbm4b:s3+s2] =	stream.indirect_vreg.scatter [tilespmem:s22], [sflag:$0x1], $0x80, v3, vm0, $0xb8;
	[tilespmem:$0x18080] =	vst v63  }
0xaf: {  	_ = 	snop  }
0xb0: {  	[hbm4b:s4+s2] =	stream.indirect_vreg.scatter [tilespmem:s23], [sflag:$0x1], $0x80, v3, vm0, $0xb8;
	[tilespmem:$0x18080] =	vst v63  }
0xb1: {  	_ = 	snop  }
0xb2: {  	[hbm4b:s5+s2] =	stream.indirect_vreg.scatter [tilespmem:s24], [sflag:$0x1], $0x80, v3, vm0, $0xb8;
	[tilespmem:$0x18080] =	vst v63  }
0xb3: {  	v3 =	vld [tilespmem:$0x70];
	_ =	sdelay $0x4  }
0xb4: {  	v63 =	vshrl.u32 v3, $0x3  }
0xb5: {  	v4 =	vmul.u32 $0x30, v63  }
0xb6: {  	v3 =	vand.u32 $0x7, v3  }
0xb7: {  	v3 =	vor.u32 v3, v4  }
0xb8: {  	v4 =	vperm.xlane v3, v0;
	_ =	sdelay $0x1  }
0xb9: {  	v4 =	vadd.s32 v1, v4;
	_ =	sdelay $0x3  }
0xba: {  	v3 =	vperm.xlane v3, v2  }
0xbb: {  	[hbm4b:s3+s2] =	stream.indirect_vreg.scatter [tilespmem:s25], [sflag:$0x1], $0x80, v4, vm0, $0xb8;
	[tilespmem:$0x18080] =	vst v63  }
0xbc: {  	v3 =	vadd.s32 v1, v3  }
0xbd: {  	[hbm4b:s4+s2] =	stream.indirect_vreg.scatter [tilespmem:s26], [sflag:$0x1], $0x80, v4, vm0, $0xb8;
	[tilespmem:$0x18080] =	vst v63  }
0xbe: {  	_ = 	snop  }
0xbf: {  	[hbm4b:s5+s2] =	stream.indirect_vreg.scatter [tilespmem:s28], [sflag:$0x1], $0x80, v4, vm0, $0xb8;
	[tilespmem:$0x18080] =	vst v63  }
0xc0: {  	_ = 	snop  }
0xc1: {  	[hbm4b:s3+s2] =	stream.indirect_vreg.scatter [tilespmem:s29], [sflag:$0x1], $0x80, v3, vm0, $0xb8;
	[tilespmem:$0x18080] =	vst v63  }
0xc2: {  	p0 =	sne.s32 s6, $0x1  }
0xc3: {  	[hbm4b:s4+s2] =	stream.indirect_vreg.scatter [tilespmem:s30], [sflag:$0x1], $0x80, v3, vm0, $0xb8;
	[tilespmem:$0x18080] =	vst v63  }
.Ltmp0:
0xc4: {  	_ = 	snop;
	(pc) =	sbr.rel @p0 .LBB2_1-.Ltmp0, $4  }
0xc5: {  	[hbm4b:s5+s2] =	stream.indirect_vreg.scatter [tilespmem:s31], [sflag:$0x1], $0x80, v3, vm0, $0xb8;
	[tilespmem:$0x18080] =	vst v63  }
0xc6: {  	_ =	swait.ge [sflag:s1], $0x18000  }
0xc7: {  	[sflag:s1] =	ssyncset.done $0x0  }
0xc8: {  	s6 =	sadd.s32 $0xFFFFFFFF, s6;
	[sflag:s1] =	ssyncadd.s32 $0xFFFE8000  }
0xc9: {  	_ =	sfence.sel $0x180000  }
0xca: {  	[bflag:$0x0] =	sbarrier.arrive $0xFFFF  }
0xcb: {  	_ =	strace $0x90000047  }
0xcc: {  	s0 =	stileid.u32;
	[bflag:$0x2] =	sbarrier.arrive $0xFFFF  }
0xcd: {  	p0 =	sne.s32 s0, $0x0;
	s0 =	rddreg [dreg:$0x2]  }
0xce: {  	s0 =	sadd.s32 @!p0 $0x100000, s0  }
0xcf: {  	[sflag:s0] =	ssyncadd.tile.s32 @!p0 $0x1;
	_ =	shalt  }
.Lfunc_end2:
_tile_overlayer_lowered:
.L_overlay_start_2:
0xd0: {  	(tag) =	ssettag $0x2  }
0xd1: {  	s0 =	rddreg [dreg:$0x0];
	s2 =	stileid.u32  }
0xd2: {  	s1 =	rddreg [dreg:$0x1];
	p0 =	sne.s32 s2, $0x0  }
0xd3: {  	s3 =	rddreg [dreg:$0x2];
	[bflag:$0x3] =	sbarrier.arrive $0xFFFF;
	s2 =	simm.s32 @!p0 $0x1C02  }
0xd4: {  	[timem:s3], [sflag:s2] =	dma.local @!p0 [hbm:s0], s1  }
0xd5: {  	s0 =	simm.s32 @!p0 $0x2  }
0xd6: {  	_ =	swait.ge @!p0 [sflag:s0], s1  }
0xd7: {  	s1 =	ssub.s32 @!p0 $0x0, s1;
	[sflag:s0] =	ssyncset.done @!p0 $0x0  }
0xd8: {  	[sflag:s0] =	ssyncadd.s32 @!p0 s1  }
0xd9: {  	[bflag:$0x3] =	sbarrier.arrive $0xFFFF  }
0xda: {  	_ =	shalt  }

// kernel: kernel.13.cloned.1.call-start
scs
__scs_entry_jumppad:
0x0: {  	(pc) =	sbr.rel $0x88, $3  }
0x1: {  	(tag) =	ssettag $0x0;
	lr =	simm.s32 $0x1  }
0x2: {  	[smem:$0x3F97] =	sst lr;
	_ =	strace $0xD0000000  }
0x3: {  	_ = 	snop  }
0x4: {  	_ = 	snop  }
0x5: {  	_ = 	snop  }
0x6: {  	_ = 	snop  }
0x7: {  	_ = 	snop  }
__scs_overlays_trampoline_lowered:
0x8: {  	[smem:$0x3FA6] =	sst s0  }
0x9: {  	[smem:$0x3FA7] =	sst s1  }
0xa: {  	[smem:$0x3FA8] =	sst s2  }
0xb: {  	[smem:$0x3FA9] =	sst s3  }
0xc: {  	[smem:$0x3FAA] =	sst s4  }
0xd: {  	[smem:$0x3FAB] =	sst s5  }
0xe: {  	[smem:$0x3FAC] =	sst s6  }
0xf: {  	[smem:$0x3FAD] =	sst s7  }
0x10: {  	[smem:$0x3FAE] =	sst s8  }
0x11: {  	[smem:$0x3FAF] =	sst s9;
	s0 =	simm.s32 @!p0 $0x0  }
0x12: {  	s1 =	sld [smem:$0x3F95];
	s0 =	simm.s32 @p0 $0x1  }
0x13: {  	[smem:$0x3FB0] =	sst s0;
	s0 =	simm.s32 @!p1 $0x0  }
0x14: {  	s2 =	sld [smem:$0x3F94];
	s0 =	simm.s32 @p1 $0x1  }
0x15: {  	[smem:$0x3FB1] =	sst s0;
	s0 =	simm.s32 @!p2 $0x0  }
0x16: {  	s3 =	sld [smem:$0x3FDB];
	s0 =	simm.s32 @p2 $0x1  }
0x17: {  	s4 =	simm.s32 $0x1BF5;
	[smem:$0x3FB3] =	sst s0  }
0x18: {  	s0 =	sld [smem:$0x3F96];
	_ =	swait.ge [sflag:s4], $0x0  }
0x19: {  	s7 =	sld [smem:$0x3F97]  }
0x1a: {  	s8 =	sadd.s32 $0xFFFFE003, lr  }
0x1b: {  	s9 =	sadd.s32 $0xFFFFFEF7, lr;
	s5 =	simm.s32 $0xFFFFFFFF;
	p2 =	slt.u32 s8, $0xFFFFF086  }
0x1c: {  	p1 =	slt.u32 s9, $0xF7A;
	s5 =	simm.s32 @!p2 $0x0  }
0x1d: {  	s5 =	simm.s32 @p1 $0x1;
	p0 =	seq.s32 s7, s2  }
0x1e: {  	s7 =	smul.u32 @!p0 $0xF7A, s2;
	p2 =	seq.s32 @!p0 s5, $0x0  }
0x1f: {  	s9 =	smul.u32 $0xF7A, s1;
	s8 =	simm.s32 @!p0 $0x1BF5;
	p2 =	por !p2, p0  }
0x20: {  	[sflag:s8] =	ssyncset.s32 @!p0 $0xFFFFF086;
	s6 =	sadd.s32 @!p0 s3, s7;
	s7 =	simm.s32 @!p0 $0x108  }
0x21: {  	s3 =	sadd.s32 s3, s9;
	s6 =	sadd.s32 @!p0 $0x88, s6;
	s7 =	simm.s32 @p2 $0x1082  }
0x22: {  	[simem:s7], [sflag:s8] =	dma.local @!p0 [hbm:s6], $0xF7A  }
0x23: {  	s9 =	sor.u32 $0xD0000000, s2;
	s6 =	simm.s32 $0x108;
	_ =	swait.ge @!p0 [sflag:s8], $0x0  }
0x24: {  	s3 =	sadd.s32 $0x88, s3;
	s6 =	simm.s32 @!p1 $0x1082;
	[sflag:s4] =	ssyncset.s32 $0xFFFFF086  }
0x25: {  	[simem:s6], [sflag:s4] =	dma.local [hbm:s3], $0xF7A  }
0x26: {  	[smem:$0x3F97] =	sst s1;
	(tag) =	ssettag s2;
	_ =	strace s9  }
0x27: {  	s1 =	sld [smem:$0x3FA7]  }
0x28: {  	s2 =	sld [smem:$0x3FA8]  }
0x29: {  	s4 =	sld [smem:$0x3FAA]  }
0x2a: {  	p0 =	seq.s32 s5, $0x0;
	s5 =	sld [smem:$0x3FAB]  }
0x2b: {  	s6 =	sld [smem:$0x3FAC]  }
0x2c: {  	s7 =	sld [smem:$0x3FAD]  }
0x2d: {  	s3 =	simm.s32 $0x108;
	s8 =	sld [smem:$0x3FAE]  }
0x2e: {  	s3 =	simm.s32 @!p0 $0x1082;
	s9 =	sld [smem:$0x3FAF]  }
0x2f: {  	lr =	sadd.s32 s0, s3;
	s0 =	sld [smem:$0x3FA6]  }
0x30: {  	s3 =	sld [smem:$0x3FA9]  }
0x31: {  	[smem:$0x3FB2] =	sst s10  }
0x32: {  	s10 =	sld [smem:$0x3FB0];
	_ =	sdelay $0x3  }
0x33: {  	p0 =	seq.s32 s10, $0x1;
	s10 =	sld [smem:$0x3FB2];
	_ =	sdelay $0x3  }
0x34: {  	[smem:$0x3FB2] =	sst s10  }
0x35: {  	s10 =	sld [smem:$0x3FB1];
	_ =	sdelay $0x3  }
0x36: {  	p1 =	seq.s32 s10, $0x1;
	s10 =	sld [smem:$0x3FB2];
	_ =	sdelay $0x3  }
0x37: {  	[smem:$0x3FB2] =	sst s10  }
0x38: {  	s10 =	sld [smem:$0x3FB3]  }
0x39: {  	_ = 	snop;
	(pc) =	sbr.ind lr, $3  }
0x3a: {  	_ = 	snop  }
0x3b: {  	_ = 	snop  }
0x3c: {  	p2 =	seq.s32 s10, $0x1;
	s10 =	sld [smem:$0x3FB2]  }
0x3d: {  	_ =	shalt  }
0x3e: {  	_ =	shalt  }
0x3f: {  	_ =	shalt  }
0x40: {  	_ =	shalt  }
0x41: {  	_ =	shalt  }
0x42: {  	_ =	shalt  }
0x43: {  	_ =	shalt  }
0x44: {  	_ =	shalt  }
0x45: {  	_ =	shalt  }
0x46: {  	_ =	shalt  }
0x47: {  	_ =	shalt  }
0x48: {  	_ =	shalt  }
0x49: {  	_ =	shalt  }
0x4a: {  	_ =	shalt  }
0x4b: {  	_ =	shalt  }
0x4c: {  	_ =	shalt  }
0x4d: {  	_ =	shalt  }
0x4e: {  	_ =	shalt  }
0x4f: {  	_ =	shalt  }
0x50: {  	_ =	shalt  }
0x51: {  	_ =	shalt  }
0x52: {  	_ =	shalt  }
0x53: {  	_ =	shalt  }
0x54: {  	_ =	shalt  }
0x55: {  	_ =	shalt  }
0x56: {  	_ =	shalt  }
0x57: {  	_ =	shalt  }
0x58: {  	_ =	shalt  }
0x59: {  	_ =	shalt  }
0x5a: {  	_ =	shalt  }
0x5b: {  	_ =	shalt  }
0x5c: {  	_ =	shalt  }
0x5d: {  	_ =	shalt  }
0x5e: {  	_ =	shalt  }
0x5f: {  	_ =	shalt  }
0x60: {  	_ =	shalt  }
0x61: {  	_ =	shalt  }
0x62: {  	_ =	shalt  }
0x63: {  	_ =	shalt  }
0x64: {  	_ =	shalt  }
0x65: {  	_ =	shalt  }
0x66: {  	_ =	shalt  }
0x67: {  	_ =	shalt  }
0x68: {  	_ =	shalt  }
0x69: {  	_ =	shalt  }
0x6a: {  	_ =	shalt  }
0x6b: {  	_ =	shalt  }
0x6c: {  	_ =	shalt  }
0x6d: {  	_ =	shalt  }
0x6e: {  	_ =	shalt  }
0x6f: {  	_ =	shalt  }
0x70: {  	_ =	shalt  }
0x71: {  	_ =	shalt  }
0x72: {  	_ =	shalt  }
0x73: {  	_ =	shalt  }
0x74: {  	_ =	shalt  }
0x75: {  	_ =	shalt  }
0x76: {  	_ =	shalt  }
0x77: {  	_ =	shalt  }
0x78: {  	_ =	shalt  }
0x79: {  	_ =	shalt  }
0x7a: {  	_ =	shalt  }
0x7b: {  	_ =	shalt  }
0x7c: {  	_ =	shalt  }
0x7d: {  	_ =	shalt  }
0x7e: {  	_ =	shalt  }
0x7f: {  	_ =	shalt  }
0x80: {  	_ =	shalt  }
0x81: {  	_ =	shalt  }
0x82: {  	_ =	shalt  }
0x83: {  	_ =	shalt  }
0x84: {  	_ =	shalt  }
0x85: {  	_ =	shalt  }
0x86: {  	_ =	shalt  }
0x87: {  	_ =	shalt  }
.Lfunc_end0:
.L_simem_size_0:
called_computation.1_lowered:
.L_overlay_start_0:
0x88: {  	s2 =	sld [smem:$0x3FD9]  }
0x89: {  	s3 =	sld [smem:$0x3FFE];
	_ =	sdelay $0x1  }
0x8a: {  	s1 =	srdreg.scid  }
0x8b: {  	s0 =	sand.u32 $0x1, s1  }
0x8c: {  	s16 =	sshll.u32 s0, $0xA;
	s2 =	sadd.s32 s3, s2  }
0x8d: {  	s2 =	sadd.s32 s2, s16  }
0x8e: {  	[smem:$0x3FBE] =	sst s2  }
0x8f: {  	_ = 	snop  }
0x90: {  	(tm) =	ssettm $0x1  }
0x91: {  	s17 =	sld [smem:$0x3FFB];
	_ =	sdelay $0x3  }
0x92: {  	_ =	strace s17  }
0x93: {  	s2 =	sld [smem:$0x3FFC];
	_ =	sdelay $0x3  }
0x94: {  	_ =	strace s2  }
0x95: {  	s2 =	sld [smem:$0x3FFD];
	_ =	sdelay $0x3  }
0x96: {  	_ =	strace s2  }
0x97: {  	_ =	strace $0x8FFFFFFF  }
0x98: {  	s18 =	sld [smem:$0x3FDB];
	_ =	sdelay $0x1  }
0x99: {  	s19 =	simm.s32 $_scs_section_size  }
0x9a: {  	s4 =	simm.s32 $_size__tile_overlayer_lowered;
	s5 =	simm.s32 $_tile_overlayer_lowered  }
0x9b: {  	s22 =	simm.s32 $0x1BFF;
	s21 =	sshll.u32 s5, $0x1;
	s2 =	sadd.s32 s19, s18  }
0x9c: {  	s6 =	simm.s32 $0x0;
	s20 =	sshll.u32 s4, $0x1;
	s4 =	sadd.s32 s21, s2  }
0x9d: {  	[timem:s6], [sflag:s22] =	dma.local [hbm:s4], s20  }
0x9e: {  	_ =	swait.ge [sflag:s22], s20  }
0x9f: {  	s3 =	ssub.s32 $0x0, s20;
	[sflag:s22] =	ssyncset.done $0x0  }
0xa0: {  	[sflag:s22] =	ssyncadd.s32 s3;
	_ =	sdelay $0x1  }
0xa1: {  	s23 =	simm.s32 $0x1B8B  }
0xa2: {  	_ =	swait.ge [sflag:s23], $0x1  }
0xa3: {  	[sflag:s23] =	ssyncset.done $0x0  }
0xa4: {  	s25 =	simm.s32 $0x1B8E;
	s24 =	sld [smem:$0x3FFE];
	[sflag:s23] =	ssyncadd.s32 $0xFFFFFFFF  }
0xa5: {  	s26 =	simm.s32 $execute0_lowered;
	[smem:$0x3FD2] =	sst s25  }
0xa6: {  	s4 =	sshll.u32 s26, $0x1;
	_ =	strace $0x80000049;
	[dreg:$0x1] =	wrdreg $0xFFFFFFFF  }
0xa7: {  	s28 =	simm.s32 $_size_execute0_lowered;
	s2 =	sadd.s32 s2, s4;
	[dreg:$0x0] =	wrdreg $0x0  }
0xa8: {  	s4 =	sshll.u32 s28, $0x1;
	[dreg:$0x2] =	wrdreg s2  }
0xa9: {  	[dreg:$0x3] =	wrdreg s4  }
0xaa: {  	[dreg:$0x4] =	wrdreg $0xC0  }
0xab: {  	_ =	task [dreg:s6], $0x5FFFF  }
0xac: {  	[dreg:$0x1] =	wrdreg $0xFFFFFFFF  }
0xad: {  	[dreg:$0x0] =	wrdreg $0x60  }
0xae: {  	[dreg:$0x2] =	wrdreg s24  }
0xaf: {  	[dreg:$0x3] =	wrdreg $0x9  }
0xb0: {  	_ =	task.clear_ibuf [dreg:s6], $0x4FFFF;
	_ =	strace $0x90000049  }
0xb1: {  	s29 =	simm.s32 $0x9;
	_ =	strace $0x8000004B  }
0xb2: {  	_ =	swait.ge [sflag:s29], $0x1  }
0xb3: {  	[sflag:s29] =	ssyncadd.s32 $0xFFFFFFFF  }
0xb4: {  	_ =	strace $0x9000004B  }
0xb5: {  	_ =	sfence  }
0xb6: {  	s30 =	sld [smem:$0x0];
	_ =	sdelay $0x2  }
0xb7: {  	s31 =	sshll.u32 s1, $0xD;
	s1 =	sshrl.u32 s1, $0x2  }
0xb8: {  	s3 =	sand.u32 $0x4000, s31;
	s1 =	sadd.s32 s1, s30  }
0xb9: {  	s0 =	sor.u32 s3, s0;
	s1 =	sshll.u32 s1, $0x11  }
0xba: {  	s0 =	sor.u32 s1, s0  }
0xbb: {  	s0 =	sadd.s32 $0x8F2B, s0  }
0xbc: {  	[sflag:s0] =	ssyncadd.remote.s32 $0x1  }
0xbd: {  	_ =	sfence.sel $0xFFFF  }
0xbe: {  	[dreg:$0x0] =	wrdreg $0xFFFFFFFF;
	(pc) =	sbr.abs _section_cstart, $3  }
0xbf: {  	[dreg:$0x1] =	wrdreg $0xFFFFFFFF  }
0xc0: {  	_ =	task.clear_ibuf [dreg:s6], $0x2FFFF;
	_ =	strace $0x9FFFFFFF  }
0xc1: {  	(tm) =	ssettm $0x7FFFFFFF  }
tec
execute0_lowered:
.L_overlay_start_1:
0x0: {  	(tag) =	ssettag $0x1  }
0x1: {  	s1 =	srdreg.scid  }
0x2: {  	s0 =	stileid.u32;
	s1 =	sand.u32 $0x1, s1  }
0x3: {  	s2 =	sshll.u32 s0, $0x5;
	s3 =	sshll.u32 s1, $0x4  }
0x4: {  	s5 =	rddreg [dreg:$0x0];
	s3 =	sor.u32 s3, s2;
	s2 =	simm.s32 $0x0  }
0x5: {  	s26 =	simm.s32 $0x880;
	[smem:$0x7FF] =	sst s2  }
0x6: {  	s0 =	simm.s32 $0x1080;
	_ =	strace $0x8000004A;
	[dreg:$0x4] =	wrdreg s26  }
0x7: {  	s6 =	simm.s32 $0x2080;
	[dreg:$0x5] =	wrdreg s0  }
0x8: {  	s7 =	simm.s32 $0x2880;
	[dreg:$0x7] =	wrdreg s6  }
0x9: {  	s8 =	simm.s32 $0x3080;
	[dreg:$0x8] =	wrdreg s7  }
0xa: {  	s9 =	simm.s32 $0x3880;
	[dreg:$0x9] =	wrdreg s8  }
0xb: {  	s10 =	simm.s32 $0x4080;
	[dreg:$0xa] =	wrdreg s9  }
0xc: {  	s11 =	simm.s32 $0x4880;
	[dreg:$0xb] =	wrdreg s10  }
0xd: {  	s12 =	simm.s32 $0x5080;
	[dreg:$0xc] =	wrdreg s11  }
0xe: {  	s13 =	simm.s32 $0x5880;
	[dreg:$0xd] =	wrdreg s12  }
0xf: {  	s14 =	simm.s32 $0x6080;
	[dreg:$0xe] =	wrdreg s13  }
0x10: {  	s15 =	simm.s32 $0x6880;
	[dreg:$0xf] =	wrdreg s14  }
0x11: {  	s16 =	simm.s32 $0x7080;
	[dreg:$0x10] =	wrdreg s15  }
0x12: {  	s17 =	simm.s32 $0x7880;
	s18 =	simm.s32 $0x8080;
	[dreg:$0x11] =	wrdreg s16  }
0x13: {  	s19 =	simm.s32 $0x8880;
	s20 =	simm.s32 $0x9080;
	[dreg:$0x12] =	wrdreg s17  }
0x14: {  	s21 =	simm.s32 $0x9880;
	s22 =	simm.s32 $0xA080;
	[dreg:$0x13] =	wrdreg s18  }
0x15: {  	s23 =	simm.s32 $0xA880;
	s24 =	simm.s32 $0xB880;
	[dreg:$0x14] =	wrdreg s19  }
0x16: {  	s28 =	simm.s32 $0x16080;
	s29 =	simm.s32 $0x16880;
	[dreg:$0x15] =	wrdreg s20  }
0x17: {  	s30 =	simm.s32 $0x17080;
	s31 =	simm.s32 $0x17880;
	[dreg:$0x16] =	wrdreg s21  }
0x18: {  	s4 =	smul.u32 $0x300, s3;
	s3 =	sadd.s32 s3, s5;
	[dreg:$0x17] =	wrdreg s22  }
0x19: {  	s1 =	ssub.s32 $0x2, s1;
	s3 =	sadd.s32 $0x7B600, s3;
	[dreg:$0x18] =	wrdreg s23  }
0x1a: {  	s6 =	sshrl.u32 s1, $0x1;
	s7 =	simm.s32 $0xB080;
	[dreg:$0x1a] =	wrdreg s24  }
0x1b: {  	s8 =	simm.s32 $0x80;
	s26 =	simm.s32 $0xC880;
	s10 =	simm.s32 $0xD880  }
0x1c: {  	s11 =	simm.s32 $0xE080;
	s12 =	simm.s32 $0xE880;
	s13 =	simm.s32 $0xF080  }
0x1d: {  	s14 =	simm.s32 $0xF880;
	s15 =	simm.s32 $0x10080;
	s16 =	simm.s32 $0x10880  }
0x1e: {  	s17 =	simm.s32 $0x11080;
	s18 =	simm.s32 $0x11880;
	s19 =	simm.s32 $0x12080  }
0x1f: {  	s20 =	simm.s32 $0x12880;
	s21 =	simm.s32 $0x13080;
	s22 =	simm.s32 $0x13880  }
0x20: {  	s23 =	simm.s32 $0x14080;
	s24 =	simm.s32 $0x14880;
	[dreg:$0x2] =	wrdreg s3  }
0x21: {  	s4 =	sadd.s32 s4, s5;
	s3 =	sadd.s32 $0x1600, s5;
	[dreg:$0x19] =	wrdreg s7  }
0x22: {  	s1 =	ssub.s32 s1, s6;
	s7 =	simm.s32 $0x2;
	[dreg:$0x1c] =	wrdreg s26  }
0x23: {  	s26 =	simm.s32 $0x15880;
	s25 =	sadd.s32 $0x7B800, s4;
	s4 =	simm.s32 $0x1880  }
0x24: {  	v2 =	vlaneseq.u32;
	s6 =	smax.u32 s1, $0x1;
	s1 =	simm.s32 $0x1;
	[dreg:$0x3] =	wrdreg s25  }
0x25: {  	vm0 =	vmmov $0xffff;
	v1 =	vshrl.u32 v2, $0x3;
	[dreg:$0x6] =	wrdreg s4;
	s4 =	sadd.s32 $0x1700, s5;
	s25 =	simm.s32 $0xC080  }
0x26: {  	v0 =	vand.u32 $0x7, v2;
	v2 =	vor.u32 $0x8, v2;
	v1 =	vmul.u32 $0x8, v1;
	s5 =	sadd.s32 $0x1800, s5;
	[dreg:$0x1b] =	wrdreg s25;
	s25 =	simm.s32 $0x15080  }
.LBB2_1:
0x27: {  	s0 =	rddreg [dreg:$0x2]  }
0x28: {  	[tilespmem:s2], [sflag:$0x2] =	stream.linear.gather [hbm4b:s0+s2], $0x80, $0x38;
	[tilespmem:$0x18080] =	vst v63  }
0x29: {  	_ =	swait.ge [sflag:s7], $0x80  }
0x2a: {  	[sflag:s7] =	ssyncset.done $0x0  }
0x2b: {  	[sflag:s7] =	ssyncadd.s32 $0xFFFFFF80  }
0x2c: {  	v3 =	vld [tilespmem:$0x0];
	_ =	sdelay $0x4  }
0x2d: {  	v4 =	vshrl.u32 v3, $0x3  }
0x2e: {  	v4 =	vmul.u32 $0x30, v4  }
0x2f: {  	v3 =	vand.u32 $0x7, v3  }
0x30: {  	v3 =	vor.u32 v3, v4  }
0x31: {  	v4 =	vperm.xlane v3, v0;
	_ =	sdelay $0x1  }
0x32: {  	v4 =	vadd.s32 v1, v4;
	_ =	sdelay $0x3  }
0x33: {  	v3 =	vperm.xlane v3, v2  }
0x34: {  	[tilespmem:s8], [sflag:$0x1] =	stream.indirect_vreg.gather [hbm4b:s3+s2], $0x80, v4, vm0, $0xb8;
	[tilespmem:$0x18080] =	vst v63  }
0x35: {  	s0 =	rddreg [dreg:$0x4];
	v3 =	vadd.s32 v1, v3  }
0x36: {  	[tilespmem:s0], [sflag:$0x1] =	stream.indirect_vreg.gather [hbm4b:s4+s2], $0x80, v4, vm0, $0xb8;
	[tilespmem:$0x18080] =	vst v63  }
0x37: {  	s9 =	rddreg [dreg:$0x5]  }
0x38: {  	[tilespmem:s9], [sflag:$0x1] =	stream.indirect_vreg.gather [hbm4b:s5+s2], $0x80, v4, vm0, $0xb8;
	[tilespmem:$0x18080] =	vst v63  }
0x39: {  	s0 =	rddreg [dreg:$0x6]  }
0x3a: {  	[tilespmem:s0], [sflag:$0x1] =	stream.indirect_vreg.gather [hbm4b:s3+s2], $0x80, v3, vm0, $0xb8;
	[tilespmem:$0x18080] =	vst v63  }
0x3b: {  	s9 =	rddreg [dreg:$0x7]  }
0x3c: {  	[tilespmem:s9], [sflag:$0x1] =	stream.indirect_vreg.gather [hbm4b:s4+s2], $0x80, v3, vm0, $0xb8;
	[tilespmem:$0x18080] =	vst v63  }
0x3d: {  	s0 =	rddreg [dreg:$0x8]  }
0x3e: {  	[tilespmem:s0], [sflag:$0x1] =	stream.indirect_vreg.gather [hbm4b:s5+s2], $0x80, v3, vm0, $0xb8;
	[tilespmem:$0x18080] =	vst v63  }
0x3f: {  	v3 =	vld [tilespmem:$0x10];
	_ =	sdelay $0x4  }
0x40: {  	v57 =	vshrl.u32 v3, $0x3  }
0x41: {  	v4 =	vmul.u32 $0x30, v57  }
0x42: {  	v3 =	vand.u32 $0x7, v3  }
0x43: {  	v3 =	vor.u32 v3, v4  }
0x44: {  	v4 =	vperm.xlane v3, v0;
	_ =	sdelay $0x1  }
0x45: {  	v4 =	vadd.s32 v1, v4;
	_ =	sdelay $0x3  }
0x46: {  	s0 =	rddreg [dreg:$0x9];
	v3 =	vperm.xlane v3, v2  }
0x47: {  	[tilespmem:s0], [sflag:$0x1] =	stream.indirect_vreg.gather [hbm4b:s3+s2], $0x80, v4, vm0, $0xb8;
	[tilespmem:$0x18080] =	vst v63  }
0x48: {  	s9 =	rddreg [dreg:$0xa];
	v3 =	vadd.s32 v1, v3  }
0x49: {  	[tilespmem:s9], [sflag:$0x1] =	stream.indirect_vreg.gather [hbm4b:s4+s2], $0x80, v4, vm0, $0xb8;
	[tilespmem:$0x18080] =	vst v63  }
0x4a: {  	s0 =	rddreg [dreg:$0xb]  }
0x4b: {  	[tilespmem:s0], [sflag:$0x1] =	stream.indirect_vreg.gather [hbm4b:s5+s2], $0x80, v4, vm0, $0xb8;
	[tilespmem:$0x18080] =	vst v63  }
0x4c: {  	s9 =	rddreg [dreg:$0xc]  }
0x4d: {  	[tilespmem:s9], [sflag:$0x1] =	stream.indirect_vreg.gather [hbm4b:s3+s2], $0x80, v3, vm0, $0xb8;
	[tilespmem:$0x18080] =	vst v63  }
0x4e: {  	s0 =	rddreg [dreg:$0xd]  }
0x4f: {  	[tilespmem:s0], [sflag:$0x1] =	stream.indirect_vreg.gather [hbm4b:s4+s2], $0x80, v3, vm0, $0xb8;
	[tilespmem:$0x18080] =	vst v63  }
0x50: {  	s9 =	rddreg [dreg:$0xe]  }
0x51: {  	[tilespmem:s9], [sflag:$0x1] =	stream.indirect_vreg.gather [hbm4b:s5+s2], $0x80, v3, vm0, $0xb8;
	[tilespmem:$0x18080] =	vst v63  }
0x52: {  	v3 =	vld [tilespmem:$0x20];
	_ =	sdelay $0x4  }
0x53: {  	v58 =	vshrl.u32 v3, $0x3  }
0x54: {  	v4 =	vmul.u32 $0x30, v58  }
0x55: {  	v3 =	vand.u32 $0x7, v3  }
0x56: {  	v3 =	vor.u32 v3, v4  }
0x57: {  	v4 =	vperm.xlane v3, v0;
	_ =	sdelay $0x1  }
0x58: {  	v4 =	vadd.s32 v1, v4;
	_ =	sdelay $0x3  }
0x59: {  	s0 =	rddreg [dreg:$0xf];
	v3 =	vperm.xlane v3, v2  }
0x5a: {  	[tilespmem:s0], [sflag:$0x1] =	stream.indirect_vreg.gather [hbm4b:s3+s2], $0x80, v4, vm0, $0xb8;
	[tilespmem:$0x18080] =	vst v63  }
0x5b: {  	s9 =	rddreg [dreg:$0x10];
	v3 =	vadd.s32 v1, v3  }
0x5c: {  	[tilespmem:s9], [sflag:$0x1] =	stream.indirect_vreg.gather [hbm4b:s4+s2], $0x80, v4, vm0, $0xb8;
	[tilespmem:$0x18080] =	vst v63  }
0x5d: {  	s0 =	rddreg [dreg:$0x11]  }
0x5e: {  	[tilespmem:s0], [sflag:$0x1] =	stream.indirect_vreg.gather [hbm4b:s5+s2], $0x80, v4, vm0, $0xb8;
	[tilespmem:$0x18080] =	vst v63  }
0x5f: {  	s9 =	rddreg [dreg:$0x12]  }
0x60: {  	[tilespmem:s9], [sflag:$0x1] =	stream.indirect_vreg.gather [hbm4b:s3+s2], $0x80, v3, vm0, $0xb8;
	[tilespmem:$0x18080] =	vst v63  }
0x61: {  	s0 =	rddreg [dreg:$0x13]  }
0x62: {  	[tilespmem:s0], [sflag:$0x1] =	stream.indirect_vreg.gather [hbm4b:s4+s2], $0x80, v3, vm0, $0xb8;
	[tilespmem:$0x18080] =	vst v63  }
0x63: {  	s9 =	rddreg [dreg:$0x14]  }
0x64: {  	[tilespmem:s9], [sflag:$0x1] =	stream.indirect_vreg.gather [hbm4b:s5+s2], $0x80, v3, vm0, $0xb8;
	[tilespmem:$0x18080] =	vst v63  }
0x65: {  	v3 =	vld [tilespmem:$0x30];
	_ =	sdelay $0x4  }
0x66: {  	v59 =	vshrl.u32 v3, $0x3  }
0x67: {  	v4 =	vmul.u32 $0x30, v59  }
0x68: {  	v3 =	vand.u32 $0x7, v3  }
0x69: {  	v3 =	vor.u32 v3, v4  }
0x6a: {  	v4 =	vperm.xlane v3, v0;
	_ =	sdelay $0x1  }
0x6b: {  	v4 =	vadd.s32 v1, v4;
	_ =	sdelay $0x3  }
0x6c: {  	s0 =	rddreg [dreg:$0x15];
	v3 =	vperm.xlane v3, v2  }
0x6d: {  	[tilespmem:s0], [sflag:$0x1] =	stream.indirect_vreg.gather [hbm4b:s3+s2], $0x80, v4, vm0, $0xb8;
	[tilespmem:$0x18080] =	vst v63  }
0x6e: {  	s9 =	rddreg [dreg:$0x16];
	v3 =	vadd.s32 v1, v3  }
0x6f: {  	[tilespmem:s9], [sflag:$0x1] =	stream.indirect_vreg.gather [hbm4b:s4+s2], $0x80, v4, vm0, $0xb8;
	[tilespmem:$0x18080] =	vst v63  }
0x70: {  	s0 =	rddreg [dreg:$0x17]  }
0x71: {  	[tilespmem:s0], [sflag:$0x1] =	stream.indirect_vreg.gather [hbm4b:s5+s2], $0x80, v4, vm0, $0xb8;
	[tilespmem:$0x18080] =	vst v63  }
0x72: {  	s9 =	rddreg [dreg:$0x18]  }
0x73: {  	[tilespmem:s9], [sflag:$0x1] =	stream.indirect_vreg.gather [hbm4b:s3+s2], $0x80, v3, vm0, $0xb8;
	[tilespmem:$0x18080] =	vst v63  }
0x74: {  	s0 =	rddreg [dreg:$0x19]  }
0x75: {  	[tilespmem:s0], [sflag:$0x1] =	stream.indirect_vreg.gather [hbm4b:s4+s2], $0x80, v3, vm0, $0xb8;
	[tilespmem:$0x18080] =	vst v63  }
0x76: {  	s9 =	rddreg [dreg:$0x1a]  }
0x77: {  	[tilespmem:s9], [sflag:$0x1] =	stream.indirect_vreg.gather [hbm4b:s5+s2], $0x80, v3, vm0, $0xb8;
	[tilespmem:$0x18080] =	vst v63  }
0x78: {  	v3 =	vld [tilespmem:$0x40];
	_ =	sdelay $0x4  }
0x79: {  	v60 =	vshrl.u32 v3, $0x3  }
0x7a: {  	v4 =	vmul.u32 $0x30, v60  }
0x7b: {  	v3 =	vand.u32 $0x7, v3  }
0x7c: {  	v3 =	vor.u32 v3, v4  }
0x7d: {  	v4 =	vperm.xlane v3, v0;
	_ =	sdelay $0x1  }
0x7e: {  	v4 =	vadd.s32 v1, v4;
	_ =	sdelay $0x3  }
0x7f: {  	s0 =	rddreg [dreg:$0x1b];
	v3 =	vperm.xlane v3, v2  }
0x80: {  	[tilespmem:s0], [sflag:$0x1] =	stream.indirect_vreg.gather [hbm4b:s3+s2], $0x80, v4, vm0, $0xb8;
	[tilespmem:$0x18080] =	vst v63  }
0x81: {  	s9 =	rddreg [dreg:$0x1c];
	v3 =	vadd.s32 v1, v3  }
0x82: {  	[tilespmem:s9], [sflag:$0x1] =	stream.indirect_vreg.gather [hbm4b:s4+s2], $0x80, v4, vm0, $0xb8;
	[tilespmem:$0x18080] =	vst v63  }
0x83: {  	s9 =	simm.s32 $0xD080  }
0x84: {  	[tilespmem:s9], [sflag:$0x1] =	stream.indirect_vreg.gather [hbm4b:s5+s2], $0x80, v4, vm0, $0xb8;
	[tilespmem:$0x18080] =	vst v63  }
0x85: {  	_ = 	snop  }
0x86: {  	[tilespmem:s10], [sflag:$0x1] =	stream.indirect_vreg.gather [hbm4b:s3+s2], $0x80, v3, vm0, $0xb8;
	[tilespmem:$0x18080] =	vst v63  }
0x87: {  	_ = 	snop  }
0x88: {  	[tilespmem:s11], [sflag:$0x1] =	stream.indirect_vreg.gather [hbm4b:s4+s2], $0x80, v3, vm0, $0xb8;
	[tilespmem:$0x18080] =	vst v63  }
0x89: {  	_ = 	snop  }
0x8a: {  	[tilespmem:s12], [sflag:$0x1] =	stream.indirect_vreg.gather [hbm4b:s5+s2], $0x80, v3, vm0, $0xb8;
	[tilespmem:$0x18080] =	vst v63  }
0x8b: {  	v3 =	vld [tilespmem:$0x50];
	_ =	sdelay $0x4  }
0x8c: {  	v61 =	vshrl.u32 v3, $0x3  }
0x8d: {  	v4 =	vmul.u32 $0x30, v61  }
0x8e: {  	v3 =	vand.u32 $0x7, v3  }
0x8f: {  	v3 =	vor.u32 v3, v4  }
0x90: {  	v4 =	vperm.xlane v3, v0;
	_ =	sdelay $0x1  }
0x91: {  	v4 =	vadd.s32 v1, v4;
	_ =	sdelay $0x3  }
0x92: {  	v3 =	vperm.xlane v3, v2  }
0x93: {  	[tilespmem:s13], [sflag:$0x1] =	stream.indirect_vreg.gather [hbm4b:s3+s2], $0x80, v4, vm0, $0xb8;
	[tilespmem:$0x18080] =	vst v63  }
0x94: {  	v3 =	vadd.s32 v1, v3  }
0x95: {  	[tilespmem:s14], [sflag:$0x1] =	stream.indirect_vreg.gather [hbm4b:s4+s2], $0x80, v4, vm0, $0xb8;
	[tilespmem:$0x18080] =	vst v63  }
0x96: {  	_ = 	snop  }
0x97: {  	[tilespmem:s15], [sflag:$0x1] =	stream.indirect_vreg.gather [hbm4b:s5+s2], $0x80, v4, vm0, $0xb8;
	[tilespmem:$0x18080] =	vst v63  }
0x98: {  	_ = 	snop  }
0x99: {  	[tilespmem:s16], [sflag:$0x1] =	stream.indirect_vreg.gather [hbm4b:s3+s2], $0x80, v3, vm0, $0xb8;
	[tilespmem:$0x18080] =	vst v63  }
0x9a: {  	_ = 	snop  }
0x9b: {  	[tilespmem:s17], [sflag:$0x1] =	stream.indirect_vreg.gather [hbm4b:s4+s2], $0x80, v3, vm0, $0xb8;
	[tilespmem:$0x18080] =	vst v63  }
0x9c: {  	_ = 	snop  }
0x9d: {  	[tilespmem:s18], [sflag:$0x1] =	stream.indirect_vreg.gather [hbm4b:s5+s2], $0x80, v3, vm0, $0xb8;
	[tilespmem:$0x18080] =	vst v63  }
0x9e: {  	v3 =	vld [tilespmem:$0x60];
	_ =	sdelay $0x4  }
0x9f: {  	v62 =	vshrl.u32 v3, $0x3  }
0xa0: {  	v4 =	vmul.u32 $0x30, v62  }
0xa1: {  	v3 =	vand.u32 $0x7, v3  }
0xa2: {  	v3 =	vor.u32 v3, v4  }
0xa3: {  	v4 =	vperm.xlane v3, v0;
	_ =	sdelay $0x1  }
0xa4: {  	v4 =	vadd.s32 v1, v4;
	_ =	sdelay $0x3  }
0xa5: {  	v3 =	vperm.xlane v3, v2  }
0xa6: {  	[tilespmem:s19], [sflag:$0x1] =	stream.indirect_vreg.gather [hbm4b:s3+s2], $0x80, v4, vm0, $0xb8;
	[tilespmem:$0x18080] =	vst v63  }
0xa7: {  	v3 =	vadd.s32 v1, v3  }
0xa8: {  	[tilespmem:s20], [sflag:$0x1] =	stream.indirect_vreg.gather [hbm4b:s4+s2], $0x80, v4, vm0, $0xb8;
	[tilespmem:$0x18080] =	vst v63  }
0xa9: {  	_ = 	snop  }
0xaa: {  	[tilespmem:s21], [sflag:$0x1] =	stream.indirect_vreg.gather [hbm4b:s5+s2], $0x80, v4, vm0, $0xb8;
	[tilespmem:$0x18080] =	vst v63  }
0xab: {  	_ = 	snop  }
0xac: {  	[tilespmem:s22], [sflag:$0x1] =	stream.indirect_vreg.gather [hbm4b:s3+s2], $0x80, v3, vm0, $0xb8;
	[tilespmem:$0x18080] =	vst v63  }
0xad: {  	_ = 	snop  }
0xae: {  	[tilespmem:s23], [sflag:$0x1] =	stream.indirect_vreg.gather [hbm4b:s4+s2], $0x80, v3, vm0, $0xb8;
	[tilespmem:$0x18080] =	vst v63  }
0xaf: {  	_ = 	snop  }
0xb0: {  	[tilespmem:s24], [sflag:$0x1] =	stream.indirect_vreg.gather [hbm4b:s5+s2], $0x80, v3, vm0, $0xb8;
	[tilespmem:$0x18080] =	vst v63  }
0xb1: {  	v3 =	vld [tilespmem:$0x70];
	_ =	sdelay $0x4  }
0xb2: {  	v63 =	vshrl.u32 v3, $0x3  }
0xb3: {  	v4 =	vmul.u32 $0x30, v63  }
0xb4: {  	v3 =	vand.u32 $0x7, v3  }
0xb5: {  	v3 =	vor.u32 v3, v4  }
0xb6: {  	v4 =	vperm.xlane v3, v0;
	_ =	sdelay $0x1  }
0xb7: {  	v4 =	vadd.s32 v1, v4;
	_ =	sdelay $0x3  }
0xb8: {  	v3 =	vperm.xlane v3, v2  }
0xb9: {  	[tilespmem:s25], [sflag:$0x1] =	stream.indirect_vreg.gather [hbm4b:s3+s2], $0x80, v4, vm0, $0xb8;
	[tilespmem:$0x18080] =	vst v63  }
0xba: {  	v3 =	vadd.s32 v1, v3  }
0xbb: {  	[tilespmem:s26], [sflag:$0x1] =	stream.indirect_vreg.gather [hbm4b:s4+s2], $0x80, v4, vm0, $0xb8;
	[tilespmem:$0x18080] =	vst v63  }
0xbc: {  	_ = 	snop  }
0xbd: {  	[tilespmem:s28], [sflag:$0x1] =	stream.indirect_vreg.gather [hbm4b:s5+s2], $0x80, v4, vm0, $0xb8;
	[tilespmem:$0x18080] =	vst v63  }
0xbe: {  	_ = 	snop  }
0xbf: {  	[tilespmem:s29], [sflag:$0x1] =	stream.indirect_vreg.gather [hbm4b:s3+s2], $0x80, v3, vm0, $0xb8;
	[tilespmem:$0x18080] =	vst v63  }
0xc0: {  	_ = 	snop  }
0xc1: {  	[tilespmem:s30], [sflag:$0x1] =	stream.indirect_vreg.gather [hbm4b:s4+s2], $0x80, v3, vm0, $0xb8;
	[tilespmem:$0x18080] =	vst v63  }
0xc2: {  	_ = 	snop  }
0xc3: {  	[tilespmem:s31], [sflag:$0x1] =	stream.indirect_vreg.gather [hbm4b:s5+s2], $0x80, v3, vm0, $0xb8;
	[tilespmem:$0x18080] =	vst v63  }
0xc4: {  	_ =	swait.ge [sflag:s1], $0x18000  }
0xc5: {  	p0 =	sne.s32 s6, $0x1;
	[sflag:s1] =	ssyncset.done $0x0  }
.Ltmp0:
0xc6: {  	s9 =	rddreg [dreg:$0x3];
	[sflag:s1] =	ssyncadd.s32 $0xFFFE8000;
	(pc) =	sbr.rel @p0 .LBB2_1-.Ltmp0, $4  }
0xc7: {  	[hbm4b:s9+s2] =	stream.linear.scatter [tilespmem:s8], [sflag:$0x2], $0x18000, $0x38;
	[tilespmem:$0x18080] =	vst v63  }
0xc8: {  	_ =	swait.ge [sflag:s7], $0x18000  }
0xc9: {  	[sflag:s7] =	ssyncset.done $0x0  }
0xca: {  	s6 =	sadd.s32 $0xFFFFFFFF, s6;
	[sflag:s7] =	ssyncadd.s32 $0xFFFE8000  }
0xcb: {  	_ =	sfence.sel $0x180000  }
0xcc: {  	[bflag:$0x0] =	sbarrier.arrive $0xFFFF  }
0xcd: {  	_ =	strace $0x9000004A  }
0xce: {  	s0 =	stileid.u32;
	[bflag:$0x2] =	sbarrier.arrive $0xFFFF  }
0xcf: {  	p0 =	sne.s32 s0, $0x0;
	s0 =	rddreg [dreg:$0x1]  }
0xd0: {  	s0 =	sadd.s32 @!p0 $0x100000, s0  }
0xd1: {  	[sflag:s0] =	ssyncadd.tile.s32 @!p0 $0x1;
	_ =	shalt  }
.Lfunc_end2:
_tile_overlayer_lowered:
.L_overlay_start_2:
0xd2: {  	(tag) =	ssettag $0x2  }
0xd3: {  	s0 =	rddreg [dreg:$0x0];
	s2 =	stileid.u32  }
0xd4: {  	s1 =	rddreg [dreg:$0x1];
	p0 =	sne.s32 s2, $0x0  }
0xd5: {  	s3 =	rddreg [dreg:$0x2];
	[bflag:$0x3] =	sbarrier.arrive $0xFFFF;
	s2 =	simm.s32 @!p0 $0x1C02  }
0xd6: {  	[timem:s3], [sflag:s2] =	dma.local @!p0 [hbm:s0], s1  }
0xd7: {  	s0 =	simm.s32 @!p0 $0x2  }
0xd8: {  	_ =	swait.ge @!p0 [sflag:s0], s1  }
0xd9: {  	s1 =	ssub.s32 @!p0 $0x0, s1;
	[sflag:s0] =	ssyncset.done @!p0 $0x0  }
0xda: {  	[sflag:s0] =	ssyncadd.s32 @!p0 s1  }
0xdb: {  	[bflag:$0x3] =	sbarrier.arrive $0xFFFF  }
0xdc: {  	_ =	shalt  }

</sc_bundles>
